<compile_context>
chip_gen: v7x
topology: tpu7x:2x2x1
jax: 0.10.2.dev20260603
libtpu: 0.0.44.dev20260713+nightly
codegen_flags: <defaults>
</compile_context>

<pallas_src>
import functools

import jax
import jax.numpy as jnp
from jax import lax
from jax.experimental import pallas as pl
from jax.experimental.pallas import tpu as pltpu
from jax.experimental.pallas import tpu_sc as plsc

_NC, _NS = 2, 16
_NW = _NC * _NS
_CHUNK = 128
_NBUF = 4


def _gather_body(idx_hbm, emb_hbm, out_hbm, idx_v, rows_v, gsem, wsem,
                 *, rows_per_worker, d):
    wid = lax.axis_index("s") * _NC + lax.axis_index("c")
    base = wid * rows_per_worker
    n_chunks = rows_per_worker // _CHUNK
    pchunk = _CHUNK // 2
    pltpu.sync_copy(idx_hbm.at[pl.ds(base, rows_per_worker)], idx_v)

    def outer(g):
        c0 = g * _NBUF
        descs = []
        for k in range(_NBUF):
            idx_slice = idx_v.at[pl.ds((c0 + k) * _CHUNK, _CHUNK)]
            descs.append(
                pltpu.async_copy(emb_hbm.at[idx_slice], rows_v.at[k], gsem))
        wdescs = []
        for k in range(_NBUF):
            descs[k].wait()
            dst = out_hbm.at[pl.ds(base + (c0 + k) * _CHUNK, _CHUNK)]
            wdescs.append(pltpu.async_copy(rows_v.at[k], dst, wsem))
        for k in range(_NBUF):
            wdescs[k].wait()

    pl.loop(0, n_chunks // _NBUF)(outer)


def _sc_gather(idxs_flat, emb):
    rows = idxs_flat.shape[0]
    d = emb.shape[1]
    rows_per_worker = rows // _NW
    mesh = plsc.VectorSubcoreMesh(core_axis_name="c", subcore_axis_name="s")
    body = functools.partial(_gather_body, rows_per_worker=rows_per_worker,
                             d=d)
    return pl.kernel(
        body,
        out_type=jax.ShapeDtypeStruct((rows, d), jnp.float32),
        mesh=mesh,
        scratch_types=[
            pltpu.VMEM((rows_per_worker,), jnp.int32),
            pltpu.VMEM((_NBUF, _CHUNK, d), jnp.float32),
            pltpu.SemaphoreType.DMA,
            pltpu.SemaphoreType.DMA,
        ],
        compiler_params=pltpu.CompilerParams(use_tc_tiling_on_sc=False),
    )(idxs_flat, emb)


def _mm_body(x2_ref, w2_ref, b_ref, *rest, d, bb, hist, has_alias):
    o_ref = rest[-1]
    y2 = jnp.dot(x2_ref[...], w2_ref[...], preferred_element_type=jnp.float32)
    y2 = y2 + b_ref[...]
    o_ref[...] = y2.reshape(bb, hist, o_ref.shape[2])


def _tc_matmul_half(x2, w2, b2, y_in, batch, hist, bb, boff):
    d2, dout2 = w2.shape
    dout = dout2 // 2
    pblk = bb * hist // 2
    nblk = x2.shape[0] // pblk
    off_blocks = boff // bb
    kwargs = {}
    operands = (x2, w2, b2)
    in_specs = [
        pl.BlockSpec((pblk, d2), lambda i: (i, 0)),
        pl.BlockSpec((d2, dout2), lambda i: (0, 0)),
        pl.BlockSpec((1, dout2), lambda i: (0, 0)),
    ]
    if y_in is not None:
        kwargs["input_output_aliases"] = {3: 0}
        operands = operands + (y_in,)
        in_specs.append(pl.BlockSpec(memory_space=pl.ANY))
    return pl.pallas_call(
        functools.partial(_mm_body, d=d2 // 2, bb=bb, hist=hist,
                          has_alias=y_in is not None),
        grid=(nblk,),
        in_specs=in_specs,
        out_specs=pl.BlockSpec((bb, hist, dout),
                               lambda i: (i + off_blocks, 0, 0)),
        out_shape=jax.ShapeDtypeStruct((batch, hist, dout), jnp.float32),
        **kwargs,
    )(*operands)


def kernel(idxs, emb, W, b):
    batch, hist = idxs.shape
    rows = batch * hist
    d = emb.shape[1]
    idxs_flat = idxs.reshape(rows).astype(jnp.int32)
    z = jnp.zeros_like(W)
    w2 = jnp.concatenate(
        [jnp.concatenate([W, z], axis=1), jnp.concatenate([z, W], axis=1)],
        axis=0)
    b2d = b.reshape(1, -1)
    b2 = jnp.concatenate([b2d, b2d], axis=1)
    half = rows // 2
    xa = _sc_gather(jax.lax.slice(idxs_flat, (0,), (half,)), emb)
    xb = _sc_gather(jax.lax.slice(idxs_flat, (half,), (rows,)), emb)
    x2a = xa.reshape(half // 2, 2 * d)
    x2b = xb.reshape(half // 2, 2 * d)
    ya = _tc_matmul_half(x2a, w2, b2, None, batch, hist, 256, 0)
    return _tc_matmul_half(x2b, w2, b2, ya, batch, hist, 256, batch // 2)

# --- scband reference (transcript-rebuilt; emitter-appended) ---
"""Pipeline reference for scband-embed-trainer-4501125726692 (READ-ONLY COPY).

The authoritative reference and input builder live on the scoring server;
editing this copy changes nothing except your own understanding.
"""

import jax, jax.numpy as jnp
import numpy as np

VOCAB = 1000000
EMBED_DIM = 64
OUTPUT_DIM = 128
BATCH = 16384
HIST = 50


def setup_inputs(seed: int = 0) -> dict:
    key = jax.random.key(seed)
    k_idx, k_emb, k_w, k_b = jax.random.split(key, 4)
    idxs = jax.random.randint(k_idx, (BATCH, HIST), 0, VOCAB, dtype=jnp.int64 if jax.config.jax_enable_x64 else jnp.int32)
    emb = jax.random.normal(k_emb, (VOCAB, EMBED_DIM), dtype=jnp.float32)
    W = jax.random.normal(k_w, (EMBED_DIM, OUTPUT_DIM), dtype=jnp.float32) * (1.0 / np.sqrt(EMBED_DIM))
    b = jnp.zeros((OUTPUT_DIM,), dtype=jnp.float32)
    return {"idxs": idxs, "emb": emb, "W": W, "b": b}


def reference(idxs, emb, W, b):
    # nn.Embedding lookup: gather rows of the table
    x = jnp.take(emb, idxs, axis=0)  # [B, L, EMBED_DIM]
    # nn.Linear expansion
    y = x @ W + b  # [B, L, OUTPUT_DIM]
    # dropout p=0.0 (eval / identity)
    return y

if __name__ == "__main__":
    import jax
    _d = setup_inputs()
    print(jax.jit(kernel)(*tuple(_d.values())))

</pallas_src>

<mosaic_0001>
#map = affine_map<(d0, d1) -> (0)>
#map1 = affine_map<(d0, d1) -> (0, 0)>
module attributes {stable_mosaic.version = 14 : i64} {
  func.func @_gather_body(%arg0: i32, %arg1: i32, %arg2: memref<409600xi32, #tpu.memory_space<hbm>>, %arg3: memref<1000000x64xf32, #tpu.memory_space<hbm>>, %arg4: memref<409600x64xf32, #tpu.memory_space<hbm>>, %arg5: memref<12800xi32, #tpu.memory_space<vmem>>, %arg6: memref<4x128x64xf32, #tpu.memory_space<vmem>>, %arg7: memref<!tpu.dma_semaphore, #tpu.memory_space<semaphore_mem>>, %arg8: memref<!tpu.dma_semaphore, #tpu.memory_space<semaphore_mem>>) attributes {dimension_semantics = [#tpu.dimension_semantics<core_parallel>, #tpu.dimension_semantics<subcore_parallel>], iteration_bounds = array<i64: 2, 16>, scalar_prefetch = 0 : i64, scratch_operands = 4 : i64, tpu.core_type = #tpu.core_type<sc_vector_subcore>, window_params = [{transform_indices = #map}, {transform_indices = #map1}, {transform_indices = #map1}]} {
    %mul3A = arith.constant 2 : i32
    %mul3A_0 = arith.muli %arg1, %mul3A : i32
    %add3A = arith.addi %mul3A_0, %arg0 : i32
    %mul3A_1 = arith.constant 12800 : i32
    %mul3A_2 = arith.muli %add3A, %mul3A_1 : i32
    "tpu.region"() ({
      %run_scoped3A = tpu.sem_alloc : memref<!tpu.dma_semaphore, #tpu.memory_space<semaphore_mem>>
      %dma_start3A = tpu.memref_slice %arg2[%mul3A_2] : memref<409600xi32, #tpu.memory_space<hbm>> -> memref<12800xi32, #tpu.memory_space<hbm>>
      %dma_start3A_7 = tpu.memref_slice %arg2[%mul3A_2] : memref<409600xi32, #tpu.memory_space<hbm>> -> memref<12800xi32, #tpu.memory_space<hbm>>
      tpu.enqueue_dma source(%dma_start3A_7 : memref<12800xi32, #tpu.memory_space<hbm>>) target(%arg5 : memref<12800xi32, #tpu.memory_space<vmem>>) target_semaphore(%run_scoped3A : memref<!tpu.dma_semaphore, #tpu.memory_space<semaphore_mem>>)
      %dma_wait3A = tpu.memref_slice %arg2[%mul3A_2] : memref<409600xi32, #tpu.memory_space<hbm>> -> memref<12800xi32, #tpu.memory_space<hbm>>
      %dma_wait3A_8 = tpu.memref_slice %arg2[%mul3A_2] : memref<409600xi32, #tpu.memory_space<hbm>> -> memref<12800xi32, #tpu.memory_space<hbm>>
      tpu.wait_dma2 semaphore(%run_scoped3A : memref<!tpu.dma_semaphore, #tpu.memory_space<semaphore_mem>>) src(%dma_wait3A_8 : memref<12800xi32, #tpu.memory_space<hbm>>) dst(%arg5 : memref<12800xi32, #tpu.memory_space<vmem>>)
      tpu.yield
    }) : () -> ()
    %scan3A = arith.constant 0 : i32
    %scan3A_3 = arith.constant 25 : i32
    %scan3A_4 = arith.addi %scan3A, %scan3A_3 : i32
    %scan3A_5 = arith.constant 1 : i32
    scf.for %scan3A_7 = %scan3A to %scan3A_4 step %scan3A_5  : i32 {
      %mul3A_8 = arith.constant 1 : i32
      %mul3A_9 = arith.muli %scan3A_7, %mul3A_8 : i32
      %add3A_10 = arith.constant 0 : i32
      %add3A_11 = arith.addi %add3A_10, %mul3A_9 : i32
      %mul3A_12 = arith.constant 4 : i32
      %mul3A_13 = arith.muli %add3A_11, %mul3A_12 : i32
      %add3A_14 = arith.constant 0 : i32
      %add3A_15 = arith.addi %mul3A_13, %add3A_14 : i32
      %mul3A_16 = arith.constant 128 : i32
      %mul3A_17 = arith.muli %add3A_15, %mul3A_16 : i32
      %dma_start3A = arith.constant 0 : i32
      %dma_start3A_18 = arith.constant 0 : i32
      %dma_start3A_19 = arith.constant 0 : i32
      %dma_start3A_20 = tpu.memref_slice %arg6[%dma_start3A, %dma_start3A_18, %dma_start3A_19] : memref<4x128x64xf32, #tpu.memory_space<vmem>> -> memref<1x128x64xf32, #tpu.memory_space<vmem>>
      %dma_start3A_21 = tpu.memref_squeeze %dma_start3A_20 : memref<1x128x64xf32, #tpu.memory_space<vmem>> -> memref<128x64xf32, #tpu.memory_space<vmem>>
      %dma_start3A_22 = tpu.memref_slice %arg5[%mul3A_17] : memref<12800xi32, #tpu.memory_space<vmem>> -> memref<128xi32, #tpu.memory_space<vmem>>
      %dma_start3A_23 = arith.constant 0 : i32
      %dma_start3A_24 = arith.constant 0 : i32
      %dma_start3A_25 = tpu.memref_slice %arg3[%dma_start3A_23, %dma_start3A_24] : memref<1000000x64xf32, #tpu.memory_space<hbm>> -> memref<1000000x64xf32, #tpu.memory_space<hbm>>
      tpu.enqueue_indirect_dma source(%dma_start3A_25 : memref<1000000x64xf32, #tpu.memory_space<hbm>>) target(%dma_start3A_21 : memref<128x64xf32, #tpu.memory_space<vmem>>) offsets(%dma_start3A_22 : memref<128xi32, #tpu.memory_space<vmem>>) semaphore(%arg7 : memref<!tpu.dma_semaphore, #tpu.memory_space<semaphore_mem>>)
      %add3A_26 = arith.constant 1 : i32
      %add3A_27 = arith.addi %mul3A_13, %add3A_26 : i32
      %mul3A_28 = arith.constant 128 : i32
      %mul3A_29 = arith.muli %add3A_27, %mul3A_28 : i32
      %dma_start3A_30 = arith.constant 1 : i32
      %dma_start3A_31 = arith.constant 0 : i32
      %dma_start3A_32 = arith.constant 0 : i32
      %dma_start3A_33 = tpu.memref_slice %arg6[%dma_start3A_30, %dma_start3A_31, %dma_start3A_32] : memref<4x128x64xf32, #tpu.memory_space<vmem>> -> memref<1x128x64xf32, #tpu.memory_space<vmem>>
      %dma_start3A_34 = tpu.memref_squeeze %dma_start3A_33 : memref<1x128x64xf32, #tpu.memory_space<vmem>> -> memref<128x64xf32, #tpu.memory_space<vmem>>
      %dma_start3A_35 = tpu.memref_slice %arg5[%mul3A_29] : memref<12800xi32, #tpu.memory_space<vmem>> -> memref<128xi32, #tpu.memory_space<vmem>>
      %dma_start3A_36 = arith.constant 0 : i32
      %dma_start3A_37 = arith.constant 0 : i32
      %dma_start3A_38 = tpu.memref_slice %arg3[%dma_start3A_36, %dma_start3A_37] : memref<1000000x64xf32, #tpu.memory_space<hbm>> -> memref<1000000x64xf32, #tpu.memory_space<hbm>>
      tpu.enqueue_indirect_dma source(%dma_start3A_38 : memref<1000000x64xf32, #tpu.memory_space<hbm>>) target(%dma_start3A_34 : memref<128x64xf32, #tpu.memory_space<vmem>>) offsets(%dma_start3A_35 : memref<128xi32, #tpu.memory_space<vmem>>) semaphore(%arg7 : memref<!tpu.dma_semaphore, #tpu.memory_space<semaphore_mem>>)
      %add3A_39 = arith.constant 2 : i32
      %add3A_40 = arith.addi %mul3A_13, %add3A_39 : i32
      %mul3A_41 = arith.constant 128 : i32
      %mul3A_42 = arith.muli %add3A_40, %mul3A_41 : i32
      %dma_start3A_43 = arith.constant 2 : i32
      %dma_start3A_44 = arith.constant 0 : i32
      %dma_start3A_45 = arith.constant 0 : i32
      %dma_start3A_46 = tpu.memref_slice %arg6[%dma_start3A_43, %dma_start3A_44, %dma_start3A_45] : memref<4x128x64xf32, #tpu.memory_space<vmem>> -> memref<1x128x64xf32, #tpu.memory_space<vmem>>
      %dma_start3A_47 = tpu.memref_squeeze %dma_start3A_46 : memref<1x128x64xf32, #tpu.memory_space<vmem>> -> memref<128x64xf32, #tpu.memory_space<vmem>>
      %dma_start3A_48 = tpu.memref_slice %arg5[%mul3A_42] : memref<12800xi32, #tpu.memory_space<vmem>> -> memref<128xi32, #tpu.memory_space<vmem>>
      %dma_start3A_49 = arith.constant 0 : i32
      %dma_start3A_50 = arith.constant 0 : i32
      %dma_start3A_51 = tpu.memref_slice %arg3[%dma_start3A_49, %dma_start3A_50] : memref<1000000x64xf32, #tpu.memory_space<hbm>> -> memref<1000000x64xf32, #tpu.memory_space<hbm>>
      tpu.enqueue_indirect_dma source(%dma_start3A_51 : memref<1000000x64xf32, #tpu.memory_space<hbm>>) target(%dma_start3A_47 : memref<128x64xf32, #tpu.memory_space<vmem>>) offsets(%dma_start3A_48 : memref<128xi32, #tpu.memory_space<vmem>>) semaphore(%arg7 : memref<!tpu.dma_semaphore, #tpu.memory_space<semaphore_mem>>)
      %add3A_52 = arith.constant 3 : i32
      %add3A_53 = arith.addi %mul3A_13, %add3A_52 : i32
      %mul3A_54 = arith.constant 128 : i32
      %mul3A_55 = arith.muli %add3A_53, %mul3A_54 : i32
      %dma_start3A_56 = arith.constant 3 : i32
      %dma_start3A_57 = arith.constant 0 : i32
      %dma_start3A_58 = arith.constant 0 : i32
      %dma_start3A_59 = tpu.memref_slice %arg6[%dma_start3A_56, %dma_start3A_57, %dma_start3A_58] : memref<4x128x64xf32, #tpu.memory_space<vmem>> -> memref<1x128x64xf32, #tpu.memory_space<vmem>>
      %dma_start3A_60 = tpu.memref_squeeze %dma_start3A_59 : memref<1x128x64xf32, #tpu.memory_space<vmem>> -> memref<128x64xf32, #tpu.memory_space<vmem>>
      %dma_start3A_61 = tpu.memref_slice %arg5[%mul3A_55] : memref<12800xi32, #tpu.memory_space<vmem>> -> memref<128xi32, #tpu.memory_space<vmem>>
      %dma_start3A_62 = arith.constant 0 : i32
      %dma_start3A_63 = arith.constant 0 : i32
      %dma_start3A_64 = tpu.memref_slice %arg3[%dma_start3A_62, %dma_start3A_63] : memref<1000000x64xf32, #tpu.memory_space<hbm>> -> memref<1000000x64xf32, #tpu.memory_space<hbm>>
      tpu.enqueue_indirect_dma source(%dma_start3A_64 : memref<1000000x64xf32, #tpu.memory_space<hbm>>) target(%dma_start3A_60 : memref<128x64xf32, #tpu.memory_space<vmem>>) offsets(%dma_start3A_61 : memref<128xi32, #tpu.memory_space<vmem>>) semaphore(%arg7 : memref<!tpu.dma_semaphore, #tpu.memory_space<semaphore_mem>>)
      %dma_wait3A = arith.constant 0 : i32
      %dma_wait3A_65 = arith.constant 0 : i32
      %dma_wait3A_66 = arith.constant 0 : i32
      %dma_wait3A_67 = tpu.memref_slice %arg6[%dma_wait3A, %dma_wait3A_65, %dma_wait3A_66] : memref<4x128x64xf32, #tpu.memory_space<vmem>> -> memref<1x128x64xf32, #tpu.memory_space<vmem>>
      %dma_wait3A_68 = tpu.memref_squeeze %dma_wait3A_67 : memref<1x128x64xf32, #tpu.memory_space<vmem>> -> memref<128x64xf32, #tpu.memory_space<vmem>>
      %dma_wait3A_69 = tpu.memref_slice %arg5[%mul3A_17] : memref<12800xi32, #tpu.memory_space<vmem>> -> memref<128xi32, #tpu.memory_space<vmem>>
      %dma_wait3A_70 = arith.constant 0 : i32
      %dma_wait3A_71 = arith.constant 0 : i32
      %dma_wait3A_72 = tpu.memref_slice %arg3[%dma_wait3A_70, %dma_wait3A_71] : memref<1000000x64xf32, #tpu.memory_space<hbm>> -> memref<1000000x64xf32, #tpu.memory_space<hbm>>
      tpu.wait_indirect_dma semaphore(%arg7 : memref<!tpu.dma_semaphore, #tpu.memory_space<semaphore_mem>>) src(%dma_wait3A_72 : memref<1000000x64xf32, #tpu.memory_space<hbm>>) dst(%dma_wait3A_68 : memref<128x64xf32, #tpu.memory_space<vmem>>)
      %add3A_73 = arith.constant 0 : i32
      %add3A_74 = arith.addi %mul3A_13, %add3A_73 : i32
      %mul3A_75 = arith.constant 128 : i32
      %mul3A_76 = arith.muli %add3A_74, %mul3A_75 : i32
      %add3A_77 = arith.addi %mul3A_2, %mul3A_76 : i32
      %dma_start3A_78 = arith.constant 0 : i32
      %dma_start3A_79 = arith.constant 0 : i32
      %dma_start3A_80 = arith.constant 0 : i32
      %dma_start3A_81 = tpu.memref_slice %arg6[%dma_start3A_78, %dma_start3A_79, %dma_start3A_80] : memref<4x128x64xf32, #tpu.memory_space<vmem>> -> memref<1x128x64xf32, #tpu.memory_space<vmem>>
      %dma_start3A_82 = tpu.memref_squeeze %dma_start3A_81 : memref<1x128x64xf32, #tpu.memory_space<vmem>> -> memref<128x64xf32, #tpu.memory_space<vmem>>
      %dma_start3A_83 = arith.constant 0 : i32
      %dma_start3A_84 = tpu.memref_slice %arg4[%add3A_77, %dma_start3A_83] : memref<409600x64xf32, #tpu.memory_space<hbm>> -> memref<128x64xf32, #tpu.memory_space<hbm>>
      %dma_start3A_85 = arith.constant 0 : i32
      %dma_start3A_86 = tpu.memref_slice %arg4[%add3A_77, %dma_start3A_85] : memref<409600x64xf32, #tpu.memory_space<hbm>> -> memref<128x64xf32, #tpu.memory_space<hbm>>
      %dma_start3A_87 = arith.constant 0 : i32
      %dma_start3A_88 = arith.constant 0 : i32
      %dma_start3A_89 = tpu.memref_slice %arg6[%dma_start3A_78, %dma_start3A_87, %dma_start3A_88] : memref<4x128x64xf32, #tpu.memory_space<vmem>> -> memref<1x128x64xf32, #tpu.memory_space<vmem>>
      %dma_start3A_90 = tpu.memref_squeeze %dma_start3A_89 : memref<1x128x64xf32, #tpu.memory_space<vmem>> -> memref<128x64xf32, #tpu.memory_space<vmem>>
      tpu.enqueue_dma source(%dma_start3A_90 : memref<128x64xf32, #tpu.memory_space<vmem>>) target(%dma_start3A_86 : memref<128x64xf32, #tpu.memory_space<hbm>>) target_semaphore(%arg8 : memref<!tpu.dma_semaphore, #tpu.memory_space<semaphore_mem>>)
      %dma_wait3A_91 = arith.constant 1 : i32
      %dma_wait3A_92 = arith.constant 0 : i32
      %dma_wait3A_93 = arith.constant 0 : i32
      %dma_wait3A_94 = tpu.memref_slice %arg6[%dma_wait3A_91, %dma_wait3A_92, %dma_wait3A_93] : memref<4x128x64xf32, #tpu.memory_space<vmem>> -> memref<1x128x64xf32, #tpu.memory_space<vmem>>
      %dma_wait3A_95 = tpu.memref_squeeze %dma_wait3A_94 : memref<1x128x64xf32, #tpu.memory_space<vmem>> -> memref<128x64xf32, #tpu.memory_space<vmem>>
      %dma_wait3A_96 = tpu.memref_slice %arg5[%mul3A_29] : memref<12800xi32, #tpu.memory_space<vmem>> -> memref<128xi32, #tpu.memory_space<vmem>>
      %dma_wait3A_97 = arith.constant 0 : i32
      %dma_wait3A_98 = arith.constant 0 : i32
      %dma_wait3A_99 = tpu.memref_slice %arg3[%dma_wait3A_97, %dma_wait3A_98] : memref<1000000x64xf32, #tpu.memory_space<hbm>> -> memref<1000000x64xf32, #tpu.memory_space<hbm>>
      tpu.wait_indirect_dma semaphore(%arg7 : memref<!tpu.dma_semaphore, #tpu.memory_space<semaphore_mem>>) src(%dma_wait3A_99 : memref<1000000x64xf32, #tpu.memory_space<hbm>>) dst(%dma_wait3A_95 : memref<128x64xf32, #tpu.memory_space<vmem>>)
      %add3A_100 = arith.constant 1 : i32
      %add3A_101 = arith.addi %mul3A_13, %add3A_100 : i32
      %mul3A_102 = arith.constant 128 : i32
      %mul3A_103 = arith.muli %add3A_101, %mul3A_102 : i32
      %add3A_104 = arith.addi %mul3A_2, %mul3A_103 : i32
      %dma_start3A_105 = arith.constant 1 : i32
      %dma_start3A_106 = arith.constant 0 : i32
      %dma_start3A_107 = arith.constant 0 : i32
      %dma_start3A_108 = tpu.memref_slice %arg6[%dma_start3A_105, %dma_start3A_106, %dma_start3A_107] : memref<4x128x64xf32, #tpu.memory_space<vmem>> -> memref<1x128x64xf32, #tpu.memory_space<vmem>>
      %dma_start3A_109 = tpu.memref_squeeze %dma_start3A_108 : memref<1x128x64xf32, #tpu.memory_space<vmem>> -> memref<128x64xf32, #tpu.memory_space<vmem>>
      %dma_start3A_110 = arith.constant 0 : i32
      %dma_start3A_111 = tpu.memref_slice %arg4[%add3A_104, %dma_start3A_110] : memref<409600x64xf32, #tpu.memory_space<hbm>> -> memref<128x64xf32, #tpu.memory_space<hbm>>
      %dma_start3A_112 = arith.constant 0 : i32
      %dma_start3A_113 = tpu.memref_slice %arg4[%add3A_104, %dma_start3A_112] : memref<409600x64xf32, #tpu.memory_space<hbm>> -> memref<128x64xf32, #tpu.memory_space<hbm>>
      %dma_start3A_114 = arith.constant 0 : i32
      %dma_start3A_115 = arith.constant 0 : i32
      %dma_start3A_116 = tpu.memref_slice %arg6[%dma_start3A_105, %dma_start3A_114, %dma_start3A_115] : memref<4x128x64xf32, #tpu.memory_space<vmem>> -> memref<1x128x64xf32, #tpu.memory_space<vmem>>
      %dma_start3A_117 = tpu.memref_squeeze %dma_start3A_116 : memref<1x128x64xf32, #tpu.memory_space<vmem>> -> memref<128x64xf32, #tpu.memory_space<vmem>>
      tpu.enqueue_dma source(%dma_start3A_117 : memref<128x64xf32, #tpu.memory_space<vmem>>) target(%dma_start3A_113 : memref<128x64xf32, #tpu.memory_space<hbm>>) target_semaphore(%arg8 : memref<!tpu.dma_semaphore, #tpu.memory_space<semaphore_mem>>)
      %dma_wait3A_118 = arith.constant 2 : i32
      %dma_wait3A_119 = arith.constant 0 : i32
      %dma_wait3A_120 = arith.constant 0 : i32
      %dma_wait3A_121 = tpu.memref_slice %arg6[%dma_wait3A_118, %dma_wait3A_119, %dma_wait3A_120] : memref<4x128x64xf32, #tpu.memory_space<vmem>> -> memref<1x128x64xf32, #tpu.memory_space<vmem>>
      %dma_wait3A_122 = tpu.memref_squeeze %dma_wait3A_121 : memref<1x128x64xf32, #tpu.memory_space<vmem>> -> memref<128x64xf32, #tpu.memory_space<vmem>>
      %dma_wait3A_123 = tpu.memref_slice %arg5[%mul3A_42] : memref<12800xi32, #tpu.memory_space<vmem>> -> memref<128xi32, #tpu.memory_space<vmem>>
      %dma_wait3A_124 = arith.constant 0 : i32
      %dma_wait3A_125 = arith.constant 0 : i32
      %dma_wait3A_126 = tpu.memref_slice %arg3[%dma_wait3A_124, %dma_wait3A_125] : memref<1000000x64xf32, #tpu.memory_space<hbm>> -> memref<1000000x64xf32, #tpu.memory_space<hbm>>
      tpu.wait_indirect_dma semaphore(%arg7 : memref<!tpu.dma_semaphore, #tpu.memory_space<semaphore_mem>>) src(%dma_wait3A_126 : memref<1000000x64xf32, #tpu.memory_space<hbm>>) dst(%dma_wait3A_122 : memref<128x64xf32, #tpu.memory_space<vmem>>)
      %add3A_127 = arith.constant 2 : i32
      %add3A_128 = arith.addi %mul3A_13, %add3A_127 : i32
      %mul3A_129 = arith.constant 128 : i32
      %mul3A_130 = arith.muli %add3A_128, %mul3A_129 : i32
      %add3A_131 = arith.addi %mul3A_2, %mul3A_130 : i32
      %dma_start3A_132 = arith.constant 2 : i32
      %dma_start3A_133 = arith.constant 0 : i32
      %dma_start3A_134 = arith.constant 0 : i32
      %dma_start3A_135 = tpu.memref_slice %arg6[%dma_start3A_132, %dma_start3A_133, %dma_start3A_134] : memref<4x128x64xf32, #tpu.memory_space<vmem>> -> memref<1x128x64xf32, #tpu.memory_space<vmem>>
      %dma_start3A_136 = tpu.memref_squeeze %dma_start3A_135 : memref<1x128x64xf32, #tpu.memory_space<vmem>> -> memref<128x64xf32, #tpu.memory_space<vmem>>
      %dma_start3A_137 = arith.constant 0 : i32
      %dma_start3A_138 = tpu.memref_slice %arg4[%add3A_131, %dma_start3A_137] : memref<409600x64xf32, #tpu.memory_space<hbm>> -> memref<128x64xf32, #tpu.memory_space<hbm>>
      %dma_start3A_139 = arith.constant 0 : i32
      %dma_start3A_140 = tpu.memref_slice %arg4[%add3A_131, %dma_start3A_139] : memref<409600x64xf32, #tpu.memory_space<hbm>> -> memref<128x64xf32, #tpu.memory_space<hbm>>
      %dma_start3A_141 = arith.constant 0 : i32
      %dma_start3A_142 = arith.constant 0 : i32
      %dma_start3A_143 = tpu.memref_slice %arg6[%dma_start3A_132, %dma_start3A_141, %dma_start3A_142] : memref<4x128x64xf32, #tpu.memory_space<vmem>> -> memref<1x128x64xf32, #tpu.memory_space<vmem>>
      %dma_start3A_144 = tpu.memref_squeeze %dma_start3A_143 : memref<1x128x64xf32, #tpu.memory_space<vmem>> -> memref<128x64xf32, #tpu.memory_space<vmem>>
      tpu.enqueue_dma source(%dma_start3A_144 : memref<128x64xf32, #tpu.memory_space<vmem>>) target(%dma_start3A_140 : memref<128x64xf32, #tpu.memory_space<hbm>>) target_semaphore(%arg8 : memref<!tpu.dma_semaphore, #tpu.memory_space<semaphore_mem>>)
      %dma_wait3A_145 = arith.constant 3 : i32
      %dma_wait3A_146 = arith.constant 0 : i32
      %dma_wait3A_147 = arith.constant 0 : i32
      %dma_wait3A_148 = tpu.memref_slice %arg6[%dma_wait3A_145, %dma_wait3A_146, %dma_wait3A_147] : memref<4x128x64xf32, #tpu.memory_space<vmem>> -> memref<1x128x64xf32, #tpu.memory_space<vmem>>
      %dma_wait3A_149 = tpu.memref_squeeze %dma_wait3A_148 : memref<1x128x64xf32, #tpu.memory_space<vmem>> -> memref<128x64xf32, #tpu.memory_space<vmem>>
      %dma_wait3A_150 = tpu.memref_slice %arg5[%mul3A_55] : memref<12800xi32, #tpu.memory_space<vmem>> -> memref<128xi32, #tpu.memory_space<vmem>>
      %dma_wait3A_151 = arith.constant 0 : i32
      %dma_wait3A_152 = arith.constant 0 : i32
      %dma_wait3A_153 = tpu.memref_slice %arg3[%dma_wait3A_151, %dma_wait3A_152] : memref<1000000x64xf32, #tpu.memory_space<hbm>> -> memref<1000000x64xf32, #tpu.memory_space<hbm>>
      tpu.wait_indirect_dma semaphore(%arg7 : memref<!tpu.dma_semaphore, #tpu.memory_space<semaphore_mem>>) src(%dma_wait3A_153 : memref<1000000x64xf32, #tpu.memory_space<hbm>>) dst(%dma_wait3A_149 : memref<128x64xf32, #tpu.memory_space<vmem>>)
      %add3A_154 = arith.constant 3 : i32
      %add3A_155 = arith.addi %mul3A_13, %add3A_154 : i32
      %mul3A_156 = arith.constant 128 : i32
      %mul3A_157 = arith.muli %add3A_155, %mul3A_156 : i32
      %add3A_158 = arith.addi %mul3A_2, %mul3A_157 : i32
      %dma_start3A_159 = arith.constant 3 : i32
      %dma_start3A_160 = arith.constant 0 : i32
      %dma_start3A_161 = arith.constant 0 : i32
      %dma_start3A_162 = tpu.memref_slice %arg6[%dma_start3A_159, %dma_start3A_160, %dma_start3A_161] : memref<4x128x64xf32, #tpu.memory_space<vmem>> -> memref<1x128x64xf32, #tpu.memory_space<vmem>>
      %dma_start3A_163 = tpu.memref_squeeze %dma_start3A_162 : memref<1x128x64xf32, #tpu.memory_space<vmem>> -> memref<128x64xf32, #tpu.memory_space<vmem>>
      %dma_start3A_164 = arith.constant 0 : i32
      %dma_start3A_165 = tpu.memref_slice %arg4[%add3A_158, %dma_start3A_164] : memref<409600x64xf32, #tpu.memory_space<hbm>> -> memref<128x64xf32, #tpu.memory_space<hbm>>
      %dma_start3A_166 = arith.constant 0 : i32
      %dma_start3A_167 = tpu.memref_slice %arg4[%add3A_158, %dma_start3A_166] : memref<409600x64xf32, #tpu.memory_space<hbm>> -> memref<128x64xf32, #tpu.memory_space<hbm>>
      %dma_start3A_168 = arith.constant 0 : i32
      %dma_start3A_169 = arith.constant 0 : i32
      %dma_start3A_170 = tpu.memref_slice %arg6[%dma_start3A_159, %dma_start3A_168, %dma_start3A_169] : memref<4x128x64xf32, #tpu.memory_space<vmem>> -> memref<1x128x64xf32, #tpu.memory_space<vmem>>
      %dma_start3A_171 = tpu.memref_squeeze %dma_start3A_170 : memref<1x128x64xf32, #tpu.memory_space<vmem>> -> memref<128x64xf32, #tpu.memory_space<vmem>>
      tpu.enqueue_dma source(%dma_start3A_171 : memref<128x64xf32, #tpu.memory_space<vmem>>) target(%dma_start3A_167 : memref<128x64xf32, #tpu.memory_space<hbm>>) target_semaphore(%arg8 : memref<!tpu.dma_semaphore, #tpu.memory_space<semaphore_mem>>)
      %dma_wait3A_172 = arith.constant 0 : i32
      %dma_wait3A_173 = arith.constant 0 : i32
      %dma_wait3A_174 = arith.constant 0 : i32
      %dma_wait3A_175 = tpu.memref_slice %arg6[%dma_wait3A_172, %dma_wait3A_173, %dma_wait3A_174] : memref<4x128x64xf32, #tpu.memory_space<vmem>> -> memref<1x128x64xf32, #tpu.memory_space<vmem>>
      %dma_wait3A_176 = tpu.memref_squeeze %dma_wait3A_175 : memref<1x128x64xf32, #tpu.memory_space<vmem>> -> memref<128x64xf32, #tpu.memory_space<vmem>>
      %dma_wait3A_177 = arith.constant 0 : i32
      %dma_wait3A_178 = tpu.memref_slice %arg4[%add3A_77, %dma_wait3A_177] : memref<409600x64xf32, #tpu.memory_space<hbm>> -> memref<128x64xf32, #tpu.memory_space<hbm>>
      %dma_wait3A_179 = arith.constant 0 : i32
      %dma_wait3A_180 = tpu.memref_slice %arg4[%add3A_77, %dma_wait3A_179] : memref<409600x64xf32, #tpu.memory_space<hbm>> -> memref<128x64xf32, #tpu.memory_space<hbm>>
      %dma_wait3A_181 = arith.constant 0 : i32
      %dma_wait3A_182 = arith.constant 0 : i32
      %dma_wait3A_183 = tpu.memref_slice %arg6[%dma_wait3A_172, %dma_wait3A_181, %dma_wait3A_182] : memref<4x128x64xf32, #tpu.memory_space<vmem>> -> memref<1x128x64xf32, #tpu.memory_space<vmem>>
      %dma_wait3A_184 = tpu.memref_squeeze %dma_wait3A_183 : memref<1x128x64xf32, #tpu.memory_space<vmem>> -> memref<128x64xf32, #tpu.memory_space<vmem>>
      tpu.wait_dma2 semaphore(%arg8 : memref<!tpu.dma_semaphore, #tpu.memory_space<semaphore_mem>>) src(%dma_wait3A_184 : memref<128x64xf32, #tpu.memory_space<vmem>>) dst(%dma_wait3A_180 : memref<128x64xf32, #tpu.memory_space<hbm>>)
      %dma_wait3A_185 = arith.constant 1 : i32
      %dma_wait3A_186 = arith.constant 0 : i32
      %dma_wait3A_187 = arith.constant 0 : i32
      %dma_wait3A_188 = tpu.memref_slice %arg6[%dma_wait3A_185, %dma_wait3A_186, %dma_wait3A_187] : memref<4x128x64xf32, #tpu.memory_space<vmem>> -> memref<1x128x64xf32, #tpu.memory_space<vmem>>
      %dma_wait3A_189 = tpu.memref_squeeze %dma_wait3A_188 : memref<1x128x64xf32, #tpu.memory_space<vmem>> -> memref<128x64xf32, #tpu.memory_space<vmem>>
      %dma_wait3A_190 = arith.constant 0 : i32
      %dma_wait3A_191 = tpu.memref_slice %arg4[%add3A_104, %dma_wait3A_190] : memref<409600x64xf32, #tpu.memory_space<hbm>> -> memref<128x64xf32, #tpu.memory_space<hbm>>
      %dma_wait3A_192 = arith.constant 0 : i32
      %dma_wait3A_193 = tpu.memref_slice %arg4[%add3A_104, %dma_wait3A_192] : memref<409600x64xf32, #tpu.memory_space<hbm>> -> memref<128x64xf32, #tpu.memory_space<hbm>>
      %dma_wait3A_194 = arith.constant 0 : i32
      %dma_wait3A_195 = arith.constant 0 : i32
      %dma_wait3A_196 = tpu.memref_slice %arg6[%dma_wait3A_185, %dma_wait3A_194, %dma_wait3A_195] : memref<4x128x64xf32, #tpu.memory_space<vmem>> -> memref<1x128x64xf32, #tpu.memory_space<vmem>>
      %dma_wait3A_197 = tpu.memref_squeeze %dma_wait3A_196 : memref<1x128x64xf32, #tpu.memory_space<vmem>> -> memref<128x64xf32, #tpu.memory_space<vmem>>
      tpu.wait_dma2 semaphore(%arg8 : memref<!tpu.dma_semaphore, #tpu.memory_space<semaphore_mem>>) src(%dma_wait3A_197 : memref<128x64xf32, #tpu.memory_space<vmem>>) dst(%dma_wait3A_193 : memref<128x64xf32, #tpu.memory_space<hbm>>)
      %dma_wait3A_198 = arith.constant 2 : i32
      %dma_wait3A_199 = arith.constant 0 : i32
      %dma_wait3A_200 = arith.constant 0 : i32
      %dma_wait3A_201 = tpu.memref_slice %arg6[%dma_wait3A_198, %dma_wait3A_199, %dma_wait3A_200] : memref<4x128x64xf32, #tpu.memory_space<vmem>> -> memref<1x128x64xf32, #tpu.memory_space<vmem>>
      %dma_wait3A_202 = tpu.memref_squeeze %dma_wait3A_201 : memref<1x128x64xf32, #tpu.memory_space<vmem>> -> memref<128x64xf32, #tpu.memory_space<vmem>>
      %dma_wait3A_203 = arith.constant 0 : i32
      %dma_wait3A_204 = tpu.memref_slice %arg4[%add3A_131, %dma_wait3A_203] : memref<409600x64xf32, #tpu.memory_space<hbm>> -> memref<128x64xf32, #tpu.memory_space<hbm>>
      %dma_wait3A_205 = arith.constant 0 : i32
      %dma_wait3A_206 = tpu.memref_slice %arg4[%add3A_131, %dma_wait3A_205] : memref<409600x64xf32, #tpu.memory_space<hbm>> -> memref<128x64xf32, #tpu.memory_space<hbm>>
      %dma_wait3A_207 = arith.constant 0 : i32
      %dma_wait3A_208 = arith.constant 0 : i32
      %dma_wait3A_209 = tpu.memref_slice %arg6[%dma_wait3A_198, %dma_wait3A_207, %dma_wait3A_208] : memref<4x128x64xf32, #tpu.memory_space<vmem>> -> memref<1x128x64xf32, #tpu.memory_space<vmem>>
      %dma_wait3A_210 = tpu.memref_squeeze %dma_wait3A_209 : memref<1x128x64xf32, #tpu.memory_space<vmem>> -> memref<128x64xf32, #tpu.memory_space<vmem>>
      tpu.wait_dma2 semaphore(%arg8 : memref<!tpu.dma_semaphore, #tpu.memory_space<semaphore_mem>>) src(%dma_wait3A_210 : memref<128x64xf32, #tpu.memory_space<vmem>>) dst(%dma_wait3A_206 : memref<128x64xf32, #tpu.memory_space<hbm>>)
      %dma_wait3A_211 = arith.constant 3 : i32
      %dma_wait3A_212 = arith.constant 0 : i32
      %dma_wait3A_213 = arith.constant 0 : i32
      %dma_wait3A_214 = tpu.memref_slice %arg6[%dma_wait3A_211, %dma_wait3A_212, %dma_wait3A_213] : memref<4x128x64xf32, #tpu.memory_space<vmem>> -> memref<1x128x64xf32, #tpu.memory_space<vmem>>
      %dma_wait3A_215 = tpu.memref_squeeze %dma_wait3A_214 : memref<1x128x64xf32, #tpu.memory_space<vmem>> -> memref<128x64xf32, #tpu.memory_space<vmem>>
      %dma_wait3A_216 = arith.constant 0 : i32
      %dma_wait3A_217 = tpu.memref_slice %arg4[%add3A_158, %dma_wait3A_216] : memref<409600x64xf32, #tpu.memory_space<hbm>> -> memref<128x64xf32, #tpu.memory_space<hbm>>
      %dma_wait3A_218 = arith.constant 0 : i32
      %dma_wait3A_219 = tpu.memref_slice %arg4[%add3A_158, %dma_wait3A_218] : memref<409600x64xf32, #tpu.memory_space<hbm>> -> memref<128x64xf32, #tpu.memory_space<hbm>>
      %dma_wait3A_220 = arith.constant 0 : i32
      %dma_wait3A_221 = arith.constant 0 : i32
      %dma_wait3A_222 = tpu.memref_slice %arg6[%dma_wait3A_211, %dma_wait3A_220, %dma_wait3A_221] : memref<4x128x64xf32, #tpu.memory_space<vmem>> -> memref<1x128x64xf32, #tpu.memory_space<vmem>>
      %dma_wait3A_223 = tpu.memref_squeeze %dma_wait3A_222 : memref<1x128x64xf32, #tpu.memory_space<vmem>> -> memref<128x64xf32, #tpu.memory_space<vmem>>
      tpu.wait_dma2 semaphore(%arg8 : memref<!tpu.dma_semaphore, #tpu.memory_space<semaphore_mem>>) src(%dma_wait3A_223 : memref<128x64xf32, #tpu.memory_space<vmem>>) dst(%dma_wait3A_219 : memref<128x64xf32, #tpu.memory_space<hbm>>)
    }
    %scan3A_6 = arith.constant 25 : i32
    return
  }
}

#map = affine_map<(d0, d1) -> (0)>
#map1 = affine_map<(d0, d1) -> (0, 0)>
module attributes {stable_mosaic.version = 14 : i64} {
  func.func @_gather_body(%arg0: i32, %arg1: i32, %arg2: memref<409600xi32, #tpu.memory_space<hbm>>, %arg3: memref<1000000x64xf32, #tpu.memory_space<hbm>>, %arg4: memref<409600x64xf32, #tpu.memory_space<hbm>>, %arg5: memref<12800xi32, #tpu.memory_space<vmem>>, %arg6: memref<4x128x64xf32, #tpu.memory_space<vmem>>, %arg7: memref<!tpu.dma_semaphore, #tpu.memory_space<semaphore_mem>>, %arg8: memref<!tpu.dma_semaphore, #tpu.memory_space<semaphore_mem>>) attributes {dimension_semantics = [#tpu.dimension_semantics<core_parallel>, #tpu.dimension_semantics<subcore_parallel>], iteration_bounds = array<i64: 2, 16>, scalar_prefetch = 0 : i64, scratch_operands = 4 : i64, tpu.core_type = #tpu.core_type<sc_vector_subcore>, window_params = [{transform_indices = #map}, {transform_indices = #map1}, {transform_indices = #map1}]} {
    %mul3A = arith.constant 2 : i32
    %mul3A_0 = arith.muli %arg1, %mul3A : i32
    %add3A = arith.addi %mul3A_0, %arg0 : i32
    %mul3A_1 = arith.constant 12800 : i32
    %mul3A_2 = arith.muli %add3A, %mul3A_1 : i32
    "tpu.region"() ({
      %run_scoped3A = tpu.sem_alloc : memref<!tpu.dma_semaphore, #tpu.memory_space<semaphore_mem>>
      %dma_start3A = tpu.memref_slice %arg2[%mul3A_2] : memref<409600xi32, #tpu.memory_space<hbm>> -> memref<12800xi32, #tpu.memory_space<hbm>>
      %dma_start3A_7 = tpu.memref_slice %arg2[%mul3A_2] : memref<409600xi32, #tpu.memory_space<hbm>> -> memref<12800xi32, #tpu.memory_space<hbm>>
      tpu.enqueue_dma source(%dma_start3A_7 : memref<12800xi32, #tpu.memory_space<hbm>>) target(%arg5 : memref<12800xi32, #tpu.memory_space<vmem>>) target_semaphore(%run_scoped3A : memref<!tpu.dma_semaphore, #tpu.memory_space<semaphore_mem>>)
      %dma_wait3A = tpu.memref_slice %arg2[%mul3A_2] : memref<409600xi32, #tpu.memory_space<hbm>> -> memref<12800xi32, #tpu.memory_space<hbm>>
      %dma_wait3A_8 = tpu.memref_slice %arg2[%mul3A_2] : memref<409600xi32, #tpu.memory_space<hbm>> -> memref<12800xi32, #tpu.memory_space<hbm>>
      tpu.wait_dma2 semaphore(%run_scoped3A : memref<!tpu.dma_semaphore, #tpu.memory_space<semaphore_mem>>) src(%dma_wait3A_8 : memref<12800xi32, #tpu.memory_space<hbm>>) dst(%arg5 : memref<12800xi32, #tpu.memory_space<vmem>>)
      tpu.yield
    }) : () -> ()
    %scan3A = arith.constant 0 : i32
    %scan3A_3 = arith.constant 25 : i32
    %scan3A_4 = arith.addi %scan3A, %scan3A_3 : i32
    %scan3A_5 = arith.constant 1 : i32
    scf.for %scan3A_7 = %scan3A to %scan3A_4 step %scan3A_5  : i32 {
      %mul3A_8 = arith.constant 1 : i32
      %mul3A_9 = arith.muli %scan3A_7, %mul3A_8 : i32
      %add3A_10 = arith.constant 0 : i32
      %add3A_11 = arith.addi %add3A_10, %mul3A_9 : i32
      %mul3A_12 = arith.constant 4 : i32
      %mul3A_13 = arith.muli %add3A_11, %mul3A_12 : i32
      %add3A_14 = arith.constant 0 : i32
      %add3A_15 = arith.addi %mul3A_13, %add3A_14 : i32
      %mul3A_16 = arith.constant 128 : i32
      %mul3A_17 = arith.muli %add3A_15, %mul3A_16 : i32
      %dma_start3A = arith.constant 0 : i32
      %dma_start3A_18 = arith.constant 0 : i32
      %dma_start3A_19 = arith.constant 0 : i32
      %dma_start3A_20 = tpu.memref_slice %arg6[%dma_start3A, %dma_start3A_18, %dma_start3A_19] : memref<4x128x64xf32, #tpu.memory_space<vmem>> -> memref<1x128x64xf32, #tpu.memory_space<vmem>>
      %dma_start3A_21 = tpu.memref_squeeze %dma_start3A_20 : memref<1x128x64xf32, #tpu.memory_space<vmem>> -> memref<128x64xf32, #tpu.memory_space<vmem>>
      %dma_start3A_22 = tpu.memref_slice %arg5[%mul3A_17] : memref<12800xi32, #tpu.memory_space<vmem>> -> memref<128xi32, #tpu.memory_space<vmem>>
      %dma_start3A_23 = arith.constant 0 : i32
      %dma_start3A_24 = arith.constant 0 : i32
      %dma_start3A_25 = tpu.memref_slice %arg3[%dma_start3A_23, %dma_start3A_24] : memref<1000000x64xf32, #tpu.memory_space<hbm>> -> memref<1000000x64xf32, #tpu.memory_space<hbm>>
      tpu.enqueue_indirect_dma source(%dma_start3A_25 : memref<1000000x64xf32, #tpu.memory_space<hbm>>) target(%dma_start3A_21 : memref<128x64xf32, #tpu.memory_space<vmem>>) offsets(%dma_start3A_22 : memref<128xi32, #tpu.memory_space<vmem>>) semaphore(%arg7 : memref<!tpu.dma_semaphore, #tpu.memory_space<semaphore_mem>>)
      %add3A_26 = arith.constant 1 : i32
      %add3A_27 = arith.addi %mul3A_13, %add3A_26 : i32
      %mul3A_28 = arith.constant 128 : i32
      %mul3A_29 = arith.muli %add3A_27, %mul3A_28 : i32
      %dma_start3A_30 = arith.constant 1 : i32
      %dma_start3A_31 = arith.constant 0 : i32
      %dma_start3A_32 = arith.constant 0 : i32
      %dma_start3A_33 = tpu.memref_slice %arg6[%dma_start3A_30, %dma_start3A_31, %dma_start3A_32] : memref<4x128x64xf32, #tpu.memory_space<vmem>> -> memref<1x128x64xf32, #tpu.memory_space<vmem>>
      %dma_start3A_34 = tpu.memref_squeeze %dma_start3A_33 : memref<1x128x64xf32, #tpu.memory_space<vmem>> -> memref<128x64xf32, #tpu.memory_space<vmem>>
      %dma_start3A_35 = tpu.memref_slice %arg5[%mul3A_29] : memref<12800xi32, #tpu.memory_space<vmem>> -> memref<128xi32, #tpu.memory_space<vmem>>
      %dma_start3A_36 = arith.constant 0 : i32
      %dma_start3A_37 = arith.constant 0 : i32
      %dma_start3A_38 = tpu.memref_slice %arg3[%dma_start3A_36, %dma_start3A_37] : memref<1000000x64xf32, #tpu.memory_space<hbm>> -> memref<1000000x64xf32, #tpu.memory_space<hbm>>
      tpu.enqueue_indirect_dma source(%dma_start3A_38 : memref<1000000x64xf32, #tpu.memory_space<hbm>>) target(%dma_start3A_34 : memref<128x64xf32, #tpu.memory_space<vmem>>) offsets(%dma_start3A_35 : memref<128xi32, #tpu.memory_space<vmem>>) semaphore(%arg7 : memref<!tpu.dma_semaphore, #tpu.memory_space<semaphore_mem>>)
      %add3A_39 = arith.constant 2 : i32
      %add3A_40 = arith.addi %mul3A_13, %add3A_39 : i32
      %mul3A_41 = arith.constant 128 : i32
      %mul3A_42 = arith.muli %add3A_40, %mul3A_41 : i32
      %dma_start3A_43 = arith.constant 2 : i32
      %dma_start3A_44 = arith.constant 0 : i32
      %dma_start3A_45 = arith.constant 0 : i32
      %dma_start3A_46 = tpu.memref_slice %arg6[%dma_start3A_43, %dma_start3A_44, %dma_start3A_45] : memref<4x128x64xf32, #tpu.memory_space<vmem>> -> memref<1x128x64xf32, #tpu.memory_space<vmem>>
      %dma_start3A_47 = tpu.memref_squeeze %dma_start3A_46 : memref<1x128x64xf32, #tpu.memory_space<vmem>> -> memref<128x64xf32, #tpu.memory_space<vmem>>
      %dma_start3A_48 = tpu.memref_slice %arg5[%mul3A_42] : memref<12800xi32, #tpu.memory_space<vmem>> -> memref<128xi32, #tpu.memory_space<vmem>>
      %dma_start3A_49 = arith.constant 0 : i32
      %dma_start3A_50 = arith.constant 0 : i32
      %dma_start3A_51 = tpu.memref_slice %arg3[%dma_start3A_49, %dma_start3A_50] : memref<1000000x64xf32, #tpu.memory_space<hbm>> -> memref<1000000x64xf32, #tpu.memory_space<hbm>>
      tpu.enqueue_indirect_dma source(%dma_start3A_51 : memref<1000000x64xf32, #tpu.memory_space<hbm>>) target(%dma_start3A_47 : memref<128x64xf32, #tpu.memory_space<vmem>>) offsets(%dma_start3A_48 : memref<128xi32, #tpu.memory_space<vmem>>) semaphore(%arg7 : memref<!tpu.dma_semaphore, #tpu.memory_space<semaphore_mem>>)
      %add3A_52 = arith.constant 3 : i32
      %add3A_53 = arith.addi %mul3A_13, %add3A_52 : i32
      %mul3A_54 = arith.constant 128 : i32
      %mul3A_55 = arith.muli %add3A_53, %mul3A_54 : i32
      %dma_start3A_56 = arith.constant 3 : i32
      %dma_start3A_57 = arith.constant 0 : i32
      %dma_start3A_58 = arith.constant 0 : i32
      %dma_start3A_59 = tpu.memref_slice %arg6[%dma_start3A_56, %dma_start3A_57, %dma_start3A_58] : memref<4x128x64xf32, #tpu.memory_space<vmem>> -> memref<1x128x64xf32, #tpu.memory_space<vmem>>
      %dma_start3A_60 = tpu.memref_squeeze %dma_start3A_59 : memref<1x128x64xf32, #tpu.memory_space<vmem>> -> memref<128x64xf32, #tpu.memory_space<vmem>>
      %dma_start3A_61 = tpu.memref_slice %arg5[%mul3A_55] : memref<12800xi32, #tpu.memory_space<vmem>> -> memref<128xi32, #tpu.memory_space<vmem>>
      %dma_start3A_62 = arith.constant 0 : i32
      %dma_start3A_63 = arith.constant 0 : i32
      %dma_start3A_64 = tpu.memref_slice %arg3[%dma_start3A_62, %dma_start3A_63] : memref<1000000x64xf32, #tpu.memory_space<hbm>> -> memref<1000000x64xf32, #tpu.memory_space<hbm>>
      tpu.enqueue_indirect_dma source(%dma_start3A_64 : memref<1000000x64xf32, #tpu.memory_space<hbm>>) target(%dma_start3A_60 : memref<128x64xf32, #tpu.memory_space<vmem>>) offsets(%dma_start3A_61 : memref<128xi32, #tpu.memory_space<vmem>>) semaphore(%arg7 : memref<!tpu.dma_semaphore, #tpu.memory_space<semaphore_mem>>)
      %dma_wait3A = arith.constant 0 : i32
      %dma_wait3A_65 = arith.constant 0 : i32
      %dma_wait3A_66 = arith.constant 0 : i32
      %dma_wait3A_67 = tpu.memref_slice %arg6[%dma_wait3A, %dma_wait3A_65, %dma_wait3A_66] : memref<4x128x64xf32, #tpu.memory_space<vmem>> -> memref<1x128x64xf32, #tpu.memory_space<vmem>>
      %dma_wait3A_68 = tpu.memref_squeeze %dma_wait3A_67 : memref<1x128x64xf32, #tpu.memory_space<vmem>> -> memref<128x64xf32, #tpu.memory_space<vmem>>
      %dma_wait3A_69 = tpu.memref_slice %arg5[%mul3A_17] : memref<12800xi32, #tpu.memory_space<vmem>> -> memref<128xi32, #tpu.memory_space<vmem>>
      %dma_wait3A_70 = arith.constant 0 : i32
      %dma_wait3A_71 = arith.constant 0 : i32
      %dma_wait3A_72 = tpu.memref_slice %arg3[%dma_wait3A_70, %dma_wait3A_71] : memref<1000000x64xf32, #tpu.memory_space<hbm>> -> memref<1000000x64xf32, #tpu.memory_space<hbm>>
      tpu.wait_indirect_dma semaphore(%arg7 : memref<!tpu.dma_semaphore, #tpu.memory_space<semaphore_mem>>) src(%dma_wait3A_72 : memref<1000000x64xf32, #tpu.memory_space<hbm>>) dst(%dma_wait3A_68 : memref<128x64xf32, #tpu.memory_space<vmem>>)
      %add3A_73 = arith.constant 0 : i32
      %add3A_74 = arith.addi %mul3A_13, %add3A_73 : i32
      %mul3A_75 = arith.constant 128 : i32
      %mul3A_76 = arith.muli %add3A_74, %mul3A_75 : i32
      %add3A_77 = arith.addi %mul3A_2, %mul3A_76 : i32
      %dma_start3A_78 = arith.constant 0 : i32
      %dma_start3A_79 = arith.constant 0 : i32
      %dma_start3A_80 = arith.constant 0 : i32
      %dma_start3A_81 = tpu.memref_slice %arg6[%dma_start3A_78, %dma_start3A_79, %dma_start3A_80] : memref<4x128x64xf32, #tpu.memory_space<vmem>> -> memref<1x128x64xf32, #tpu.memory_space<vmem>>
      %dma_start3A_82 = tpu.memref_squeeze %dma_start3A_81 : memref<1x128x64xf32, #tpu.memory_space<vmem>> -> memref<128x64xf32, #tpu.memory_space<vmem>>
      %dma_start3A_83 = arith.constant 0 : i32
      %dma_start3A_84 = tpu.memref_slice %arg4[%add3A_77, %dma_start3A_83] : memref<409600x64xf32, #tpu.memory_space<hbm>> -> memref<128x64xf32, #tpu.memory_space<hbm>>
      %dma_start3A_85 = arith.constant 0 : i32
      %dma_start3A_86 = tpu.memref_slice %arg4[%add3A_77, %dma_start3A_85] : memref<409600x64xf32, #tpu.memory_space<hbm>> -> memref<128x64xf32, #tpu.memory_space<hbm>>
      %dma_start3A_87 = arith.constant 0 : i32
      %dma_start3A_88 = arith.constant 0 : i32
      %dma_start3A_89 = tpu.memref_slice %arg6[%dma_start3A_78, %dma_start3A_87, %dma_start3A_88] : memref<4x128x64xf32, #tpu.memory_space<vmem>> -> memref<1x128x64xf32, #tpu.memory_space<vmem>>
      %dma_start3A_90 = tpu.memref_squeeze %dma_start3A_89 : memref<1x128x64xf32, #tpu.memory_space<vmem>> -> memref<128x64xf32, #tpu.memory_space<vmem>>
      tpu.enqueue_dma source(%dma_start3A_90 : memref<128x64xf32, #tpu.memory_space<vmem>>) target(%dma_start3A_86 : memref<128x64xf32, #tpu.memory_space<hbm>>) target_semaphore(%arg8 : memref<!tpu.dma_semaphore, #tpu.memory_space<semaphore_mem>>)
      %dma_wait3A_91 = arith.constant 1 : i32
      %dma_wait3A_92 = arith.constant 0 : i32
      %dma_wait3A_93 = arith.constant 0 : i32
      %dma_wait3A_94 = tpu.memref_slice %arg6[%dma_wait3A_91, %dma_wait3A_92, %dma_wait3A_93] : memref<4x128x64xf32, #tpu.memory_space<vmem>> -> memref<1x128x64xf32, #tpu.memory_space<vmem>>
      %dma_wait3A_95 = tpu.memref_squeeze %dma_wait3A_94 : memref<1x128x64xf32, #tpu.memory_space<vmem>> -> memref<128x64xf32, #tpu.memory_space<vmem>>
      %dma_wait3A_96 = tpu.memref_slice %arg5[%mul3A_29] : memref<12800xi32, #tpu.memory_space<vmem>> -> memref<128xi32, #tpu.memory_space<vmem>>
      %dma_wait3A_97 = arith.constant 0 : i32
      %dma_wait3A_98 = arith.constant 0 : i32
      %dma_wait3A_99 = tpu.memref_slice %arg3[%dma_wait3A_97, %dma_wait3A_98] : memref<1000000x64xf32, #tpu.memory_space<hbm>> -> memref<1000000x64xf32, #tpu.memory_space<hbm>>
      tpu.wait_indirect_dma semaphore(%arg7 : memref<!tpu.dma_semaphore, #tpu.memory_space<semaphore_mem>>) src(%dma_wait3A_99 : memref<1000000x64xf32, #tpu.memory_space<hbm>>) dst(%dma_wait3A_95 : memref<128x64xf32, #tpu.memory_space<vmem>>)
      %add3A_100 = arith.constant 1 : i32
      %add3A_101 = arith.addi %mul3A_13, %add3A_100 : i32
      %mul3A_102 = arith.constant 128 : i32
      %mul3A_103 = arith.muli %add3A_101, %mul3A_102 : i32
      %add3A_104 = arith.addi %mul3A_2, %mul3A_103 : i32
      %dma_start3A_105 = arith.constant 1 : i32
      %dma_start3A_106 = arith.constant 0 : i32
      %dma_start3A_107 = arith.constant 0 : i32
      %dma_start3A_108 = tpu.memref_slice %arg6[%dma_start3A_105, %dma_start3A_106, %dma_start3A_107] : memref<4x128x64xf32, #tpu.memory_space<vmem>> -> memref<1x128x64xf32, #tpu.memory_space<vmem>>
      %dma_start3A_109 = tpu.memref_squeeze %dma_start3A_108 : memref<1x128x64xf32, #tpu.memory_space<vmem>> -> memref<128x64xf32, #tpu.memory_space<vmem>>
      %dma_start3A_110 = arith.constant 0 : i32
      %dma_start3A_111 = tpu.memref_slice %arg4[%add3A_104, %dma_start3A_110] : memref<409600x64xf32, #tpu.memory_space<hbm>> -> memref<128x64xf32, #tpu.memory_space<hbm>>
      %dma_start3A_112 = arith.constant 0 : i32
      %dma_start3A_113 = tpu.memref_slice %arg4[%add3A_104, %dma_start3A_112] : memref<409600x64xf32, #tpu.memory_space<hbm>> -> memref<128x64xf32, #tpu.memory_space<hbm>>
      %dma_start3A_114 = arith.constant 0 : i32
      %dma_start3A_115 = arith.constant 0 : i32
      %dma_start3A_116 = tpu.memref_slice %arg6[%dma_start3A_105, %dma_start3A_114, %dma_start3A_115] : memref<4x128x64xf32, #tpu.memory_space<vmem>> -> memref<1x128x64xf32, #tpu.memory_space<vmem>>
      %dma_start3A_117 = tpu.memref_squeeze %dma_start3A_116 : memref<1x128x64xf32, #tpu.memory_space<vmem>> -> memref<128x64xf32, #tpu.memory_space<vmem>>
      tpu.enqueue_dma source(%dma_start3A_117 : memref<128x64xf32, #tpu.memory_space<vmem>>) target(%dma_start3A_113 : memref<128x64xf32, #tpu.memory_space<hbm>>) target_semaphore(%arg8 : memref<!tpu.dma_semaphore, #tpu.memory_space<semaphore_mem>>)
      %dma_wait3A_118 = arith.constant 2 : i32
      %dma_wait3A_119 = arith.constant 0 : i32
      %dma_wait3A_120 = arith.constant 0 : i32
      %dma_wait3A_121 = tpu.memref_slice %arg6[%dma_wait3A_118, %dma_wait3A_119, %dma_wait3A_120] : memref<4x128x64xf32, #tpu.memory_space<vmem>> -> memref<1x128x64xf32, #tpu.memory_space<vmem>>
      %dma_wait3A_122 = tpu.memref_squeeze %dma_wait3A_121 : memref<1x128x64xf32, #tpu.memory_space<vmem>> -> memref<128x64xf32, #tpu.memory_space<vmem>>
      %dma_wait3A_123 = tpu.memref_slice %arg5[%mul3A_42] : memref<12800xi32, #tpu.memory_space<vmem>> -> memref<128xi32, #tpu.memory_space<vmem>>
      %dma_wait3A_124 = arith.constant 0 : i32
      %dma_wait3A_125 = arith.constant 0 : i32
      %dma_wait3A_126 = tpu.memref_slice %arg3[%dma_wait3A_124, %dma_wait3A_125] : memref<1000000x64xf32, #tpu.memory_space<hbm>> -> memref<1000000x64xf32, #tpu.memory_space<hbm>>
      tpu.wait_indirect_dma semaphore(%arg7 : memref<!tpu.dma_semaphore, #tpu.memory_space<semaphore_mem>>) src(%dma_wait3A_126 : memref<1000000x64xf32, #tpu.memory_space<hbm>>) dst(%dma_wait3A_122 : memref<128x64xf32, #tpu.memory_space<vmem>>)
      %add3A_127 = arith.constant 2 : i32
      %add3A_128 = arith.addi %mul3A_13, %add3A_127 : i32
      %mul3A_129 = arith.constant 128 : i32
      %mul3A_130 = arith.muli %add3A_128, %mul3A_129 : i32
      %add3A_131 = arith.addi %mul3A_2, %mul3A_130 : i32
      %dma_start3A_132 = arith.constant 2 : i32
      %dma_start3A_133 = arith.constant 0 : i32
      %dma_start3A_134 = arith.constant 0 : i32
      %dma_start3A_135 = tpu.memref_slice %arg6[%dma_start3A_132, %dma_start3A_133, %dma_start3A_134] : memref<4x128x64xf32, #tpu.memory_space<vmem>> -> memref<1x128x64xf32, #tpu.memory_space<vmem>>
      %dma_start3A_136 = tpu.memref_squeeze %dma_start3A_135 : memref<1x128x64xf32, #tpu.memory_space<vmem>> -> memref<128x64xf32, #tpu.memory_space<vmem>>
      %dma_start3A_137 = arith.constant 0 : i32
      %dma_start3A_138 = tpu.memref_slice %arg4[%add3A_131, %dma_start3A_137] : memref<409600x64xf32, #tpu.memory_space<hbm>> -> memref<128x64xf32, #tpu.memory_space<hbm>>
      %dma_start3A_139 = arith.constant 0 : i32
      %dma_start3A_140 = tpu.memref_slice %arg4[%add3A_131, %dma_start3A_139] : memref<409600x64xf32, #tpu.memory_space<hbm>> -> memref<128x64xf32, #tpu.memory_space<hbm>>
      %dma_start3A_141 = arith.constant 0 : i32
      %dma_start3A_142 = arith.constant 0 : i32
      %dma_start3A_143 = tpu.memref_slice %arg6[%dma_start3A_132, %dma_start3A_141, %dma_start3A_142] : memref<4x128x64xf32, #tpu.memory_space<vmem>> -> memref<1x128x64xf32, #tpu.memory_space<vmem>>
      %dma_start3A_144 = tpu.memref_squeeze %dma_start3A_143 : memref<1x128x64xf32, #tpu.memory_space<vmem>> -> memref<128x64xf32, #tpu.memory_space<vmem>>
      tpu.enqueue_dma source(%dma_start3A_144 : memref<128x64xf32, #tpu.memory_space<vmem>>) target(%dma_start3A_140 : memref<128x64xf32, #tpu.memory_space<hbm>>) target_semaphore(%arg8 : memref<!tpu.dma_semaphore, #tpu.memory_space<semaphore_mem>>)
      %dma_wait3A_145 = arith.constant 3 : i32
      %dma_wait3A_146 = arith.constant 0 : i32
      %dma_wait3A_147 = arith.constant 0 : i32
      %dma_wait3A_148 = tpu.memref_slice %arg6[%dma_wait3A_145, %dma_wait3A_146, %dma_wait3A_147] : memref<4x128x64xf32, #tpu.memory_space<vmem>> -> memref<1x128x64xf32, #tpu.memory_space<vmem>>
      %dma_wait3A_149 = tpu.memref_squeeze %dma_wait3A_148 : memref<1x128x64xf32, #tpu.memory_space<vmem>> -> memref<128x64xf32, #tpu.memory_space<vmem>>
      %dma_wait3A_150 = tpu.memref_slice %arg5[%mul3A_55] : memref<12800xi32, #tpu.memory_space<vmem>> -> memref<128xi32, #tpu.memory_space<vmem>>
      %dma_wait3A_151 = arith.constant 0 : i32
      %dma_wait3A_152 = arith.constant 0 : i32
      %dma_wait3A_153 = tpu.memref_slice %arg3[%dma_wait3A_151, %dma_wait3A_152] : memref<1000000x64xf32, #tpu.memory_space<hbm>> -> memref<1000000x64xf32, #tpu.memory_space<hbm>>
      tpu.wait_indirect_dma semaphore(%arg7 : memref<!tpu.dma_semaphore, #tpu.memory_space<semaphore_mem>>) src(%dma_wait3A_153 : memref<1000000x64xf32, #tpu.memory_space<hbm>>) dst(%dma_wait3A_149 : memref<128x64xf32, #tpu.memory_space<vmem>>)
      %add3A_154 = arith.constant 3 : i32
      %add3A_155 = arith.addi %mul3A_13, %add3A_154 : i32
      %mul3A_156 = arith.constant 128 : i32
      %mul3A_157 = arith.muli %add3A_155, %mul3A_156 : i32
      %add3A_158 = arith.addi %mul3A_2, %mul3A_157 : i32
      %dma_start3A_159 = arith.constant 3 : i32
      %dma_start3A_160 = arith.constant 0 : i32
      %dma_start3A_161 = arith.constant 0 : i32
      %dma_start3A_162 = tpu.memref_slice %arg6[%dma_start3A_159, %dma_start3A_160, %dma_start3A_161] : memref<4x128x64xf32, #tpu.memory_space<vmem>> -> memref<1x128x64xf32, #tpu.memory_space<vmem>>
      %dma_start3A_163 = tpu.memref_squeeze %dma_start3A_162 : memref<1x128x64xf32, #tpu.memory_space<vmem>> -> memref<128x64xf32, #tpu.memory_space<vmem>>
      %dma_start3A_164 = arith.constant 0 : i32
      %dma_start3A_165 = tpu.memref_slice %arg4[%add3A_158, %dma_start3A_164] : memref<409600x64xf32, #tpu.memory_space<hbm>> -> memref<128x64xf32, #tpu.memory_space<hbm>>
      %dma_start3A_166 = arith.constant 0 : i32
      %dma_start3A_167 = tpu.memref_slice %arg4[%add3A_158, %dma_start3A_166] : memref<409600x64xf32, #tpu.memory_space<hbm>> -> memref<128x64xf32, #tpu.memory_space<hbm>>
      %dma_start3A_168 = arith.constant 0 : i32
      %dma_start3A_169 = arith.constant 0 : i32
      %dma_start3A_170 = tpu.memref_slice %arg6[%dma_start3A_159, %dma_start3A_168, %dma_start3A_169] : memref<4x128x64xf32, #tpu.memory_space<vmem>> -> memref<1x128x64xf32, #tpu.memory_space<vmem>>
      %dma_start3A_171 = tpu.memref_squeeze %dma_start3A_170 : memref<1x128x64xf32, #tpu.memory_space<vmem>> -> memref<128x64xf32, #tpu.memory_space<vmem>>
      tpu.enqueue_dma source(%dma_start3A_171 : memref<128x64xf32, #tpu.memory_space<vmem>>) target(%dma_start3A_167 : memref<128x64xf32, #tpu.memory_space<hbm>>) target_semaphore(%arg8 : memref<!tpu.dma_semaphore, #tpu.memory_space<semaphore_mem>>)
      %dma_wait3A_172 = arith.constant 0 : i32
      %dma_wait3A_173 = arith.constant 0 : i32
      %dma_wait3A_174 = arith.constant 0 : i32
      %dma_wait3A_175 = tpu.memref_slice %arg6[%dma_wait3A_172, %dma_wait3A_173, %dma_wait3A_174] : memref<4x128x64xf32, #tpu.memory_space<vmem>> -> memref<1x128x64xf32, #tpu.memory_space<vmem>>
      %dma_wait3A_176 = tpu.memref_squeeze %dma_wait3A_175 : memref<1x128x64xf32, #tpu.memory_space<vmem>> -> memref<128x64xf32, #tpu.memory_space<vmem>>
      %dma_wait3A_177 = arith.constant 0 : i32
      %dma_wait3A_178 = tpu.memref_slice %arg4[%add3A_77, %dma_wait3A_177] : memref<409600x64xf32, #tpu.memory_space<hbm>> -> memref<128x64xf32, #tpu.memory_space<hbm>>
      %dma_wait3A_179 = arith.constant 0 : i32
      %dma_wait3A_180 = tpu.memref_slice %arg4[%add3A_77, %dma_wait3A_179] : memref<409600x64xf32, #tpu.memory_space<hbm>> -> memref<128x64xf32, #tpu.memory_space<hbm>>
      %dma_wait3A_181 = arith.constant 0 : i32
      %dma_wait3A_182 = arith.constant 0 : i32
      %dma_wait3A_183 = tpu.memref_slice %arg6[%dma_wait3A_172, %dma_wait3A_181, %dma_wait3A_182] : memref<4x128x64xf32, #tpu.memory_space<vmem>> -> memref<1x128x64xf32, #tpu.memory_space<vmem>>
      %dma_wait3A_184 = tpu.memref_squeeze %dma_wait3A_183 : memref<1x128x64xf32, #tpu.memory_space<vmem>> -> memref<128x64xf32, #tpu.memory_space<vmem>>
      tpu.wait_dma2 semaphore(%arg8 : memref<!tpu.dma_semaphore, #tpu.memory_space<semaphore_mem>>) src(%dma_wait3A_184 : memref<128x64xf32, #tpu.memory_space<vmem>>) dst(%dma_wait3A_180 : memref<128x64xf32, #tpu.memory_space<hbm>>)
      %dma_wait3A_185 = arith.constant 1 : i32
      %dma_wait3A_186 = arith.constant 0 : i32
      %dma_wait3A_187 = arith.constant 0 : i32
      %dma_wait3A_188 = tpu.memref_slice %arg6[%dma_wait3A_185, %dma_wait3A_186, %dma_wait3A_187] : memref<4x128x64xf32, #tpu.memory_space<vmem>> -> memref<1x128x64xf32, #tpu.memory_space<vmem>>
      %dma_wait3A_189 = tpu.memref_squeeze %dma_wait3A_188 : memref<1x128x64xf32, #tpu.memory_space<vmem>> -> memref<128x64xf32, #tpu.memory_space<vmem>>
      %dma_wait3A_190 = arith.constant 0 : i32
      %dma_wait3A_191 = tpu.memref_slice %arg4[%add3A_104, %dma_wait3A_190] : memref<409600x64xf32, #tpu.memory_space<hbm>> -> memref<128x64xf32, #tpu.memory_space<hbm>>
      %dma_wait3A_192 = arith.constant 0 : i32
      %dma_wait3A_193 = tpu.memref_slice %arg4[%add3A_104, %dma_wait3A_192] : memref<409600x64xf32, #tpu.memory_space<hbm>> -> memref<128x64xf32, #tpu.memory_space<hbm>>
      %dma_wait3A_194 = arith.constant 0 : i32
      %dma_wait3A_195 = arith.constant 0 : i32
      %dma_wait3A_196 = tpu.memref_slice %arg6[%dma_wait3A_185, %dma_wait3A_194, %dma_wait3A_195] : memref<4x128x64xf32, #tpu.memory_space<vmem>> -> memref<1x128x64xf32, #tpu.memory_space<vmem>>
      %dma_wait3A_197 = tpu.memref_squeeze %dma_wait3A_196 : memref<1x128x64xf32, #tpu.memory_space<vmem>> -> memref<128x64xf32, #tpu.memory_space<vmem>>
      tpu.wait_dma2 semaphore(%arg8 : memref<!tpu.dma_semaphore, #tpu.memory_space<semaphore_mem>>) src(%dma_wait3A_197 : memref<128x64xf32, #tpu.memory_space<vmem>>) dst(%dma_wait3A_193 : memref<128x64xf32, #tpu.memory_space<hbm>>)
      %dma_wait3A_198 = arith.constant 2 : i32
      %dma_wait3A_199 = arith.constant 0 : i32
      %dma_wait3A_200 = arith.constant 0 : i32
      %dma_wait3A_201 = tpu.memref_slice %arg6[%dma_wait3A_198, %dma_wait3A_199, %dma_wait3A_200] : memref<4x128x64xf32, #tpu.memory_space<vmem>> -> memref<1x128x64xf32, #tpu.memory_space<vmem>>
      %dma_wait3A_202 = tpu.memref_squeeze %dma_wait3A_201 : memref<1x128x64xf32, #tpu.memory_space<vmem>> -> memref<128x64xf32, #tpu.memory_space<vmem>>
      %dma_wait3A_203 = arith.constant 0 : i32
      %dma_wait3A_204 = tpu.memref_slice %arg4[%add3A_131, %dma_wait3A_203] : memref<409600x64xf32, #tpu.memory_space<hbm>> -> memref<128x64xf32, #tpu.memory_space<hbm>>
      %dma_wait3A_205 = arith.constant 0 : i32
      %dma_wait3A_206 = tpu.memref_slice %arg4[%add3A_131, %dma_wait3A_205] : memref<409600x64xf32, #tpu.memory_space<hbm>> -> memref<128x64xf32, #tpu.memory_space<hbm>>
      %dma_wait3A_207 = arith.constant 0 : i32
      %dma_wait3A_208 = arith.constant 0 : i32
      %dma_wait3A_209 = tpu.memref_slice %arg6[%dma_wait3A_198, %dma_wait3A_207, %dma_wait3A_208] : memref<4x128x64xf32, #tpu.memory_space<vmem>> -> memref<1x128x64xf32, #tpu.memory_space<vmem>>
      %dma_wait3A_210 = tpu.memref_squeeze %dma_wait3A_209 : memref<1x128x64xf32, #tpu.memory_space<vmem>> -> memref<128x64xf32, #tpu.memory_space<vmem>>
      tpu.wait_dma2 semaphore(%arg8 : memref<!tpu.dma_semaphore, #tpu.memory_space<semaphore_mem>>) src(%dma_wait3A_210 : memref<128x64xf32, #tpu.memory_space<vmem>>) dst(%dma_wait3A_206 : memref<128x64xf32, #tpu.memory_space<hbm>>)
      %dma_wait3A_211 = arith.constant 3 : i32
      %dma_wait3A_212 = arith.constant 0 : i32
      %dma_wait3A_213 = arith.constant 0 : i32
      %dma_wait3A_214 = tpu.memref_slice %arg6[%dma_wait3A_211, %dma_wait3A_212, %dma_wait3A_213] : memref<4x128x64xf32, #tpu.memory_space<vmem>> -> memref<1x128x64xf32, #tpu.memory_space<vmem>>
      %dma_wait3A_215 = tpu.memref_squeeze %dma_wait3A_214 : memref<1x128x64xf32, #tpu.memory_space<vmem>> -> memref<128x64xf32, #tpu.memory_space<vmem>>
      %dma_wait3A_216 = arith.constant 0 : i32
      %dma_wait3A_217 = tpu.memref_slice %arg4[%add3A_158, %dma_wait3A_216] : memref<409600x64xf32, #tpu.memory_space<hbm>> -> memref<128x64xf32, #tpu.memory_space<hbm>>
      %dma_wait3A_218 = arith.constant 0 : i32
      %dma_wait3A_219 = tpu.memref_slice %arg4[%add3A_158, %dma_wait3A_218] : memref<409600x64xf32, #tpu.memory_space<hbm>> -> memref<128x64xf32, #tpu.memory_space<hbm>>
      %dma_wait3A_220 = arith.constant 0 : i32
      %dma_wait3A_221 = arith.constant 0 : i32
      %dma_wait3A_222 = tpu.memref_slice %arg6[%dma_wait3A_211, %dma_wait3A_220, %dma_wait3A_221] : memref<4x128x64xf32, #tpu.memory_space<vmem>> -> memref<1x128x64xf32, #tpu.memory_space<vmem>>
      %dma_wait3A_223 = tpu.memref_squeeze %dma_wait3A_222 : memref<1x128x64xf32, #tpu.memory_space<vmem>> -> memref<128x64xf32, #tpu.memory_space<vmem>>
      tpu.wait_dma2 semaphore(%arg8 : memref<!tpu.dma_semaphore, #tpu.memory_space<semaphore_mem>>) src(%dma_wait3A_223 : memref<128x64xf32, #tpu.memory_space<vmem>>) dst(%dma_wait3A_219 : memref<128x64xf32, #tpu.memory_space<hbm>>)
    }
    %scan3A_6 = arith.constant 25 : i32
    return
  }
}

module attributes {stable_mosaic.version = 14 : i64} {
  func.func @_mm_body(%arg0: i32, %arg1: memref<6400x128xf32, #tpu.memory_space<vmem>>, %arg2: memref<128x256xf32, #tpu.memory_space<vmem>>, %arg3: memref<1x256xf32, #tpu.memory_space<vmem>>, %arg4: memref<256x50x128xf32, #tpu.memory_space<vmem>>) attributes {dimension_semantics = [#tpu.dimension_semantics<arbitrary>], iteration_bounds = array<i64: 32>, scalar_prefetch = 0 : i64, scratch_operands = 0 : i64, tpu.core_type = #tpu.core_type<tc>, window_params = [{transform_indices = @transform_0, window_bounds = array<i64: 6400, 128>}, {pipeline_mode = #tpu.pipeline_mode<synchronous>, transform_indices = @transform_1, window_bounds = array<i64: 128, 256>}, {pipeline_mode = #tpu.pipeline_mode<synchronous>, transform_indices = @transform_2, window_bounds = array<i64: 1, 256>}, {transform_indices = @transform_3, window_bounds = array<i64: 256, 50, 128>}]} {
    %get3A = arith.constant 0 : index
    %get3A_0 = arith.constant 0 : index
    %get3A_1 = vector.load %arg1[%get3A, %get3A_0] : memref<6400x128xf32, #tpu.memory_space<vmem>>, vector<6400x128xf32>
    %get3A_2 = arith.constant 0 : index
    %get3A_3 = arith.constant 0 : index
    %get3A_4 = vector.load %arg2[%get3A_2, %get3A_3] : memref<128x256xf32, #tpu.memory_space<vmem>>, vector<128x256xf32>
    %dot_general3A = arith.constant dense<0.000000e+00> : vector<6400x256xf32>
    %dot_general3A_5 = tpu.matmul %get3A_1, %get3A_4, %dot_general3A {dimension_numbers = #tpu.dot_dimension_numbers<[1], [0], [0], [1], [0, 0, 1, 1], [], []>, transpose_lhs_hint = false} : vector<6400x128xf32>, vector<128x256xf32>, vector<6400x256xf32> -> vector<6400x256xf32>
    %get3A_6 = arith.constant 0 : index
    %get3A_7 = arith.constant 0 : index
    %get3A_8 = vector.load %arg3[%get3A_6, %get3A_7] : memref<1x256xf32, #tpu.memory_space<vmem>>, vector<1x256xf32>
    %add3A = vector.broadcast %get3A_8 : vector<1x256xf32> to vector<6400x256xf32>
    %add3A_9 = arith.addf %dot_general3A_5, %add3A : vector<6400x256xf32>
    %reshape3A = vector.shape_cast %add3A_9 : vector<6400x256xf32> to vector<256x50x128xf32>
    %swap3A = arith.constant 0 : index
    %swap3A_10 = arith.constant 0 : index
    %swap3A_11 = arith.constant 0 : index
    %swap3A_12 = vector.load %arg4[%swap3A, %swap3A_10, %swap3A_11] : memref<256x50x128xf32, #tpu.memory_space<vmem>>, vector<256x50x128xf32>
    tpu.vector_store %arg4[%swap3A, %swap3A_10, %swap3A_11], %reshape3A {strides = array<i32>} : memref<256x50x128xf32, #tpu.memory_space<vmem>>, vector<256x50x128xf32>,
    return
  }
  func.func @transform_0(%arg0: i32) -> (i32, i32) {
    %c0_i32 = arith.constant 0 : i32
    %c0_i32_0 = arith.constant 0 : i32
    return %arg0, %c0_i32 : i32, i32
  }
  func.func @transform_1(%arg0: i32) -> (i32, i32) {
    %c0_i32 = arith.constant 0 : i32
    %c0_i32_0 = arith.constant 0 : i32
    %c0_i32_1 = arith.constant 0 : i32
    return %c0_i32, %c0_i32_0 : i32, i32
  }
  func.func @transform_2(%arg0: i32) -> (i32, i32) {
    %c0_i32 = arith.constant 0 : i32
    %c0_i32_0 = arith.constant 0 : i32
    %c0_i32_1 = arith.constant 0 : i32
    return %c0_i32, %c0_i32_0 : i32, i32
  }
  func.func @transform_3(%arg0: i32) -> (i32, i32, i32) {
    %add3A = arith.constant 0 : i32
    %add3A_0 = arith.addi %arg0, %add3A : i32
    %c0_i32 = arith.constant 0 : i32
    %c0_i32_1 = arith.constant 0 : i32
    %c0_i32_2 = arith.constant 0 : i32
    return %add3A_0, %c0_i32, %c0_i32_1 : i32, i32, i32
  }
}

module attributes {stable_mosaic.version = 14 : i64} {
  func.func @_mm_body(%arg0: i32, %arg1: memref<6400x128xf32, #tpu.memory_space<vmem>>, %arg2: memref<128x256xf32, #tpu.memory_space<vmem>>, %arg3: memref<1x256xf32, #tpu.memory_space<vmem>>, %arg4: memref<16384x50x128xf32, #tpu.memory_space<any>>, %arg5: memref<256x50x128xf32, #tpu.memory_space<vmem>>) attributes {dimension_semantics = [#tpu.dimension_semantics<arbitrary>], iteration_bounds = array<i64: 32>, scalar_prefetch = 0 : i64, scratch_operands = 0 : i64, tpu.core_type = #tpu.core_type<tc>, window_params = [{transform_indices = @transform_0, window_bounds = array<i64: 6400, 128>}, {pipeline_mode = #tpu.pipeline_mode<synchronous>, transform_indices = @transform_1, window_bounds = array<i64: 128, 256>}, {pipeline_mode = #tpu.pipeline_mode<synchronous>, transform_indices = @transform_2, window_bounds = array<i64: 1, 256>}, {}, {transform_indices = @transform_4, window_bounds = array<i64: 256, 50, 128>}]} {
    %get3A = arith.constant 0 : index
    %get3A_0 = arith.constant 0 : index
    %get3A_1 = vector.load %arg1[%get3A, %get3A_0] : memref<6400x128xf32, #tpu.memory_space<vmem>>, vector<6400x128xf32>
    %get3A_2 = arith.constant 0 : index
    %get3A_3 = arith.constant 0 : index
    %get3A_4 = vector.load %arg2[%get3A_2, %get3A_3] : memref<128x256xf32, #tpu.memory_space<vmem>>, vector<128x256xf32>
    %dot_general3A = arith.constant dense<0.000000e+00> : vector<6400x256xf32>
    %dot_general3A_5 = tpu.matmul %get3A_1, %get3A_4, %dot_general3A {dimension_numbers = #tpu.dot_dimension_numbers<[1], [0], [0], [1], [0, 0, 1, 1], [], []>, transpose_lhs_hint = false} : vector<6400x128xf32>, vector<128x256xf32>, vector<6400x256xf32> -> vector<6400x256xf32>
    %get3A_6 = arith.constant 0 : index
    %get3A_7 = arith.constant 0 : index
    %get3A_8 = vector.load %arg3[%get3A_6, %get3A_7] : memref<1x256xf32, #tpu.memory_space<vmem>>, vector<1x256xf32>
    %add3A = vector.broadcast %get3A_8 : vector<1x256xf32> to vector<6400x256xf32>
    %add3A_9 = arith.addf %dot_general3A_5, %add3A : vector<6400x256xf32>
    %reshape3A = vector.shape_cast %add3A_9 : vector<6400x256xf32> to vector<256x50x128xf32>
    %swap3A = arith.constant 0 : index
    %swap3A_10 = arith.constant 0 : index
    %swap3A_11 = arith.constant 0 : index
    %swap3A_12 = vector.load %arg5[%swap3A, %swap3A_10, %swap3A_11] : memref<256x50x128xf32, #tpu.memory_space<vmem>>, vector<256x50x128xf32>
    tpu.vector_store %arg5[%swap3A, %swap3A_10, %swap3A_11], %reshape3A {strides = array<i32>} : memref<256x50x128xf32, #tpu.memory_space<vmem>>, vector<256x50x128xf32>,
    return
  }
  func.func @transform_0(%arg0: i32) -> (i32, i32) {
    %c0_i32 = arith.constant 0 : i32
    %c0_i32_0 = arith.constant 0 : i32
    return %arg0, %c0_i32 : i32, i32
  }
  func.func @transform_1(%arg0: i32) -> (i32, i32) {
    %c0_i32 = arith.constant 0 : i32
    %c0_i32_0 = arith.constant 0 : i32
    %c0_i32_1 = arith.constant 0 : i32
    return %c0_i32, %c0_i32_0 : i32, i32
  }
  func.func @transform_2(%arg0: i32) -> (i32, i32) {
    %c0_i32 = arith.constant 0 : i32
    %c0_i32_0 = arith.constant 0 : i32
    %c0_i32_1 = arith.constant 0 : i32
    return %c0_i32, %c0_i32_0 : i32, i32
  }
  func.func @transform_4(%arg0: i32) -> (i32, i32, i32) {
    %add3A = arith.constant 32 : i32
    %add3A_0 = arith.addi %arg0, %add3A : i32
    %c0_i32 = arith.constant 0 : i32
    %c0_i32_1 = arith.constant 0 : i32
    %c0_i32_2 = arith.constant 0 : i32
    return %add3A_0, %c0_i32, %c0_i32_1 : i32, i32, i32
  }
}

</mosaic_0001>

<sc_bundles>
// kernel: kernel.6.cloned.1.call-start
scs
__scs_entry_jumppad:
0x0: {  	(pc) =	sbr.rel $0x88, $3  }
0x1: {  	(tag) =	ssettag $0x0;
	lr =	simm.s32 $0x1  }
0x2: {  	[smem:$0x3F9D] =	sst lr;
	_ =	strace $0xD0000000  }
0x3: {  	_ = 	snop  }
0x4: {  	_ = 	snop  }
0x5: {  	_ = 	snop  }
0x6: {  	_ = 	snop  }
0x7: {  	_ = 	snop  }
__scs_overlays_trampoline_lowered:
0x8: {  	[smem:$0x3FAC] =	sst s0  }
0x9: {  	[smem:$0x3FAD] =	sst s1  }
0xa: {  	[smem:$0x3FAE] =	sst s2  }
0xb: {  	[smem:$0x3FAF] =	sst s3  }
0xc: {  	[smem:$0x3FB0] =	sst s4  }
0xd: {  	[smem:$0x3FB1] =	sst s5  }
0xe: {  	[smem:$0x3FB2] =	sst s6  }
0xf: {  	[smem:$0x3FB3] =	sst s7  }
0x10: {  	[smem:$0x3FB4] =	sst s8  }
0x11: {  	[smem:$0x3FB5] =	sst s9;
	s0 =	simm.s32 @!p0 $0x0  }
0x12: {  	s1 =	sld [smem:$0x3F9B];
	s0 =	simm.s32 @p0 $0x1  }
0x13: {  	[smem:$0x3FB6] =	sst s0;
	s0 =	simm.s32 @!p1 $0x0  }
0x14: {  	s2 =	sld [smem:$0x3F9A];
	s0 =	simm.s32 @p1 $0x1  }
0x15: {  	[smem:$0x3FB7] =	sst s0;
	s0 =	simm.s32 @!p2 $0x0  }
0x16: {  	s3 =	sld [smem:$0x3FDB];
	s0 =	simm.s32 @p2 $0x1  }
0x17: {  	s4 =	simm.s32 $0x1BF5;
	[smem:$0x3FB9] =	sst s0  }
0x18: {  	s0 =	sld [smem:$0x3F9C];
	_ =	swait.ge [sflag:s4], $0x0  }
0x19: {  	s7 =	sld [smem:$0x3F9D]  }
0x1a: {  	s8 =	sadd.s32 $0xFFFFE003, lr  }
0x1b: {  	s9 =	sadd.s32 $0xFFFFFEF7, lr;
	s5 =	simm.s32 $0xFFFFFFFF;
	p2 =	slt.u32 s8, $0xFFFFF086  }
0x1c: {  	p1 =	slt.u32 s9, $0xF7A;
	s5 =	simm.s32 @!p2 $0x0  }
0x1d: {  	s5 =	simm.s32 @p1 $0x1;
	p0 =	seq.s32 s7, s2  }
0x1e: {  	s7 =	smul.u32 @!p0 $0xF7A, s2;
	p2 =	seq.s32 @!p0 s5, $0x0  }
0x1f: {  	s9 =	smul.u32 $0xF7A, s1;
	s8 =	simm.s32 @!p0 $0x1BF5;
	p2 =	por !p2, p0  }
0x20: {  	[sflag:s8] =	ssyncset.s32 @!p0 $0xFFFFF086;
	s6 =	sadd.s32 @!p0 s3, s7;
	s7 =	simm.s32 @!p0 $0x108  }
0x21: {  	s3 =	sadd.s32 s3, s9;
	s6 =	sadd.s32 @!p0 $0x88, s6;
	s7 =	simm.s32 @p2 $0x1082  }
0x22: {  	[simem:s7], [sflag:s8] =	dma.local @!p0 [hbm:s6], $0xF7A  }
0x23: {  	s9 =	sor.u32 $0xD0000000, s2;
	s6 =	simm.s32 $0x108;
	_ =	swait.ge @!p0 [sflag:s8], $0x0  }
0x24: {  	s3 =	sadd.s32 $0x88, s3;
	s6 =	simm.s32 @!p1 $0x1082;
	[sflag:s4] =	ssyncset.s32 $0xFFFFF086  }
0x25: {  	[simem:s6], [sflag:s4] =	dma.local [hbm:s3], $0xF7A  }
0x26: {  	[smem:$0x3F9D] =	sst s1;
	(tag) =	ssettag s2;
	_ =	strace s9  }
0x27: {  	s1 =	sld [smem:$0x3FAD]  }
0x28: {  	s2 =	sld [smem:$0x3FAE]  }
0x29: {  	s4 =	sld [smem:$0x3FB0]  }
0x2a: {  	p0 =	seq.s32 s5, $0x0;
	s5 =	sld [smem:$0x3FB1]  }
0x2b: {  	s6 =	sld [smem:$0x3FB2]  }
0x2c: {  	s7 =	sld [smem:$0x3FB3]  }
0x2d: {  	s3 =	simm.s32 $0x108;
	s8 =	sld [smem:$0x3FB4]  }
0x2e: {  	s3 =	simm.s32 @!p0 $0x1082;
	s9 =	sld [smem:$0x3FB5]  }
0x2f: {  	lr =	sadd.s32 s0, s3;
	s0 =	sld [smem:$0x3FAC]  }
0x30: {  	s3 =	sld [smem:$0x3FAF]  }
0x31: {  	[smem:$0x3FB8] =	sst s10  }
0x32: {  	s10 =	sld [smem:$0x3FB6];
	_ =	sdelay $0x3  }
0x33: {  	p0 =	seq.s32 s10, $0x1;
	s10 =	sld [smem:$0x3FB8];
	_ =	sdelay $0x3  }
0x34: {  	[smem:$0x3FB8] =	sst s10  }
0x35: {  	s10 =	sld [smem:$0x3FB7];
	_ =	sdelay $0x3  }
0x36: {  	p1 =	seq.s32 s10, $0x1;
	s10 =	sld [smem:$0x3FB8];
	_ =	sdelay $0x3  }
0x37: {  	[smem:$0x3FB8] =	sst s10  }
0x38: {  	s10 =	sld [smem:$0x3FB9]  }
0x39: {  	_ = 	snop;
	(pc) =	sbr.ind lr, $3  }
0x3a: {  	_ = 	snop  }
0x3b: {  	_ = 	snop  }
0x3c: {  	p2 =	seq.s32 s10, $0x1;
	s10 =	sld [smem:$0x3FB8]  }
0x3d: {  	_ =	shalt  }
0x3e: {  	_ =	shalt  }
0x3f: {  	_ =	shalt  }
0x40: {  	_ =	shalt  }
0x41: {  	_ =	shalt  }
0x42: {  	_ =	shalt  }
0x43: {  	_ =	shalt  }
0x44: {  	_ =	shalt  }
0x45: {  	_ =	shalt  }
0x46: {  	_ =	shalt  }
0x47: {  	_ =	shalt  }
0x48: {  	_ =	shalt  }
0x49: {  	_ =	shalt  }
0x4a: {  	_ =	shalt  }
0x4b: {  	_ =	shalt  }
0x4c: {  	_ =	shalt  }
0x4d: {  	_ =	shalt  }
0x4e: {  	_ =	shalt  }
0x4f: {  	_ =	shalt  }
0x50: {  	_ =	shalt  }
0x51: {  	_ =	shalt  }
0x52: {  	_ =	shalt  }
0x53: {  	_ =	shalt  }
0x54: {  	_ =	shalt  }
0x55: {  	_ =	shalt  }
0x56: {  	_ =	shalt  }
0x57: {  	_ =	shalt  }
0x58: {  	_ =	shalt  }
0x59: {  	_ =	shalt  }
0x5a: {  	_ =	shalt  }
0x5b: {  	_ =	shalt  }
0x5c: {  	_ =	shalt  }
0x5d: {  	_ =	shalt  }
0x5e: {  	_ =	shalt  }
0x5f: {  	_ =	shalt  }
0x60: {  	_ =	shalt  }
0x61: {  	_ =	shalt  }
0x62: {  	_ =	shalt  }
0x63: {  	_ =	shalt  }
0x64: {  	_ =	shalt  }
0x65: {  	_ =	shalt  }
0x66: {  	_ =	shalt  }
0x67: {  	_ =	shalt  }
0x68: {  	_ =	shalt  }
0x69: {  	_ =	shalt  }
0x6a: {  	_ =	shalt  }
0x6b: {  	_ =	shalt  }
0x6c: {  	_ =	shalt  }
0x6d: {  	_ =	shalt  }
0x6e: {  	_ =	shalt  }
0x6f: {  	_ =	shalt  }
0x70: {  	_ =	shalt  }
0x71: {  	_ =	shalt  }
0x72: {  	_ =	shalt  }
0x73: {  	_ =	shalt  }
0x74: {  	_ =	shalt  }
0x75: {  	_ =	shalt  }
0x76: {  	_ =	shalt  }
0x77: {  	_ =	shalt  }
0x78: {  	_ =	shalt  }
0x79: {  	_ =	shalt  }
0x7a: {  	_ =	shalt  }
0x7b: {  	_ =	shalt  }
0x7c: {  	_ =	shalt  }
0x7d: {  	_ =	shalt  }
0x7e: {  	_ =	shalt  }
0x7f: {  	_ =	shalt  }
0x80: {  	_ =	shalt  }
0x81: {  	_ =	shalt  }
0x82: {  	_ =	shalt  }
0x83: {  	_ =	shalt  }
0x84: {  	_ =	shalt  }
0x85: {  	_ =	shalt  }
0x86: {  	_ =	shalt  }
0x87: {  	_ =	shalt  }
.Lfunc_end0:
.L_simem_size_0:
called_computation_lowered:
.L_overlay_start_0:
0x88: {  	s2 =	sld [smem:$0x3FD9]  }
0x89: {  	s3 =	sld [smem:$0x3FFE];
	_ =	sdelay $0x1  }
0x8a: {  	s1 =	srdreg.scid  }
0x8b: {  	s0 =	sand.u32 $0x1, s1  }
0x8c: {  	s17 =	sshll.u32 s0, $0xA;
	s2 =	sadd.s32 s3, s2  }
0x8d: {  	s2 =	sadd.s32 s2, s17  }
0x8e: {  	[smem:$0x3FC4] =	sst s2  }
0x8f: {  	_ = 	snop  }
0x90: {  	s2 =	sld [smem:$0x3FD0];
	(tm) =	ssettm $0x1  }
0x91: {  	s18 =	sld [smem:$0x3FFB];
	_ =	sdelay $0x3  }
0x92: {  	_ =	strace s18  }
0x93: {  	s3 =	sld [smem:$0x3FFC];
	_ =	sdelay $0x3  }
0x94: {  	_ =	strace s3  }
0x95: {  	s3 =	sld [smem:$0x3FFD];
	_ =	sdelay $0x3  }
0x96: {  	_ =	strace s3  }
0x97: {  	_ =	strace $0x8FFFFFFF  }
0x98: {  	s19 =	sld [smem:$0x3FDB];
	_ =	sdelay $0x1  }
0x99: {  	s4 =	simm.s32 $_scs_section_size  }
0x9a: {  	s5 =	simm.s32 $_size__tile_overlayer_lowered;
	s6 =	simm.s32 $_tile_overlayer_lowered  }
0x9b: {  	s22 =	simm.s32 $0x1BFF;
	s21 =	sshll.u32 s6, $0x1;
	s3 =	sadd.s32 s4, s19  }
0x9c: {  	s7 =	simm.s32 $0x0;
	s20 =	sshll.u32 s5, $0x1;
	s5 =	sadd.s32 s21, s3  }
0x9d: {  	[timem:s7], [sflag:s22] =	dma.local [hbm:s5], s20  }
0x9e: {  	_ =	swait.ge [sflag:s22], s20  }
0x9f: {  	s4 =	ssub.s32 $0x0, s20;
	[sflag:s22] =	ssyncset.done $0x0  }
0xa0: {  	[sflag:s22] =	ssyncadd.s32 s4;
	_ =	sdelay $0x1  }
0xa1: {  	s23 =	simm.s32 $0x1B8B  }
0xa2: {  	_ =	swait.ge [sflag:s23], $0x1  }
0xa3: {  	[sflag:s23] =	ssyncset.done $0x0  }
0xa4: {  	s25 =	simm.s32 $0x1B8E;
	s24 =	sld [smem:$0x3FFE];
	[sflag:s23] =	ssyncadd.s32 $0xFFFFFFFF  }
0xa5: {  	s26 =	simm.s32 $execute0_lowered;
	[smem:$0x3FD2] =	sst s25  }
0xa6: {  	s5 =	sshll.u32 s26, $0x1;
	_ =	strace $0x80000046;
	[dreg:$0x1] =	wrdreg $0xFFFFFFFF  }
0xa7: {  	s28 =	simm.s32 $_size_execute0_lowered;
	s3 =	sadd.s32 s3, s5;
	[dreg:$0x0] =	wrdreg $0x0  }
0xa8: {  	s5 =	sshll.u32 s28, $0x1;
	[dreg:$0x2] =	wrdreg s3  }
0xa9: {  	[dreg:$0x3] =	wrdreg s5  }
0xaa: {  	[dreg:$0x4] =	wrdreg $0xC0  }
0xab: {  	_ =	task [dreg:s7], $0x5FFFF  }
0xac: {  	[dreg:$0x1] =	wrdreg $0xFFFFFFFF  }
0xad: {  	[dreg:$0x0] =	wrdreg $0x60  }
0xae: {  	[dreg:$0x2] =	wrdreg s24  }
0xaf: {  	[dreg:$0x3] =	wrdreg s2  }
0xb0: {  	[dreg:$0x4] =	wrdreg $0x9  }
0xb1: {  	_ =	task.clear_ibuf [dreg:s7], $0x5FFFF;
	_ =	strace $0x90000046  }
0xb2: {  	s29 =	simm.s32 $0x9;
	_ =	strace $0x80000048  }
0xb3: {  	_ =	swait.ge [sflag:s29], $0x1  }
0xb4: {  	[sflag:s29] =	ssyncadd.s32 $0xFFFFFFFF  }
0xb5: {  	_ =	strace $0x90000048  }
0xb6: {  	_ =	sfence  }
0xb7: {  	s30 =	sld [smem:$0x0];
	_ =	sdelay $0x2  }
0xb8: {  	s31 =	sshll.u32 s1, $0xD;
	s1 =	sshrl.u32 s1, $0x2  }
0xb9: {  	s3 =	sand.u32 $0x4000, s31;
	s1 =	sadd.s32 s1, s30  }
0xba: {  	s0 =	sor.u32 s3, s0;
	s1 =	sshll.u32 s1, $0x11  }
0xbb: {  	s0 =	sor.u32 s1, s0  }
0xbc: {  	s0 =	sadd.s32 $0x8F2B, s0  }
0xbd: {  	[sflag:s0] =	ssyncadd.remote.s32 $0x1  }
0xbe: {  	_ =	sfence.sel $0xFFFF  }
0xbf: {  	[dreg:$0x0] =	wrdreg $0xFFFFFFFF;
	(pc) =	sbr.abs _section_cstart, $3  }
0xc0: {  	[dreg:$0x1] =	wrdreg $0xFFFFFFFF  }
0xc1: {  	_ =	task.clear_ibuf [dreg:s7], $0x2FFFF;
	_ =	strace $0x9FFFFFFF  }
0xc2: {  	(tm) =	ssettm $0x7FFFFFFF  }
0xc3: {  	_ =	shalt  }
tec
execute0_lowered:
.L_overlay_start_1:
0x0: {  	(tag) =	ssettag $0x1  }
0x1: {  	s1 =	srdreg.scid;
	s4 =	rddreg [dreg:$0x0]  }
0x2: {  	s0 =	stileid.u32;
	s2 =	rddreg [dreg:$0x1];
	s3 =	simm.s32 $0x0  }
0x3: {  	s13 =	simm.s32 $0x5200;
	s14 =	simm.s32 $0x7200;
	s15 =	simm.s32 $0x9200  }
0x4: {  	s16 =	simm.s32 $0x1;
	s17 =	simm.s32 $0x2;
	s7 =	smul.u32 $0x6400, s0  }
0x5: {  	s18 =	simm.s32 $0x0;
	s5 =	sand.u32 $0x1, s1;
	s30 =	smul.u32 $0x32000, s0  }
0x6: {  	s26 =	sshll.u32 s0, $0x1;
	[smem:$0x7FF] =	sst s3;
	s8 =	smul.u32 $0x3200, s5  }
0x7: {  	s10 =	sadd.s32 $0xD600, s4;
	s1 =	sor.u32 s5, s26;
	s12 =	smul.u32 $0x19000, s5  }
0x8: {  	s9 =	ssub.s32 $0x2, s5;
	s6 =	smul.u32 $0x3200, s1;
	s1 =	rddreg [dreg:$0x2]  }
0x9: {  	_ =	strace $0x80000047;
	s28 =	sshrl.u32 s9, $0x1;
	s31 =	sadd.s32 s30, s10  }
0xa: {  	s7 =	sadd.s32 s8, s7;
	s29 =	ssub.s32 s9, s28;
	s8 =	sadd.s32 s12, s31  }
0xb: {  	s12 =	simm.s32 $0x3200;
	s6 =	sshrl.u32 s6, $0x3;
	s7 =	sshll.u32 s7, $0x3  }
0xc: {  	s5 =	smax.u32 s29, $0x1;
	s6 =	sadd.s32 s6, s4;
	s11 =	sadd.s32 s7, s10  }
0xd: {  	s10 =	simm.s32 $0x3;
	s4 =	sadd.s32 $0xE00, s6;
	s6 =	sadd.s32 $0x800, s11  }
0xe: {  	s7 =	sadd.s32 $0x400, s11;
	s9 =	sadd.s32 $0xC00, s11;
	s11 =	simm.s32 $0x80  }
.LBB2_1:
0xf: {  	[tilespmem:s3], [sflag:$0x3] =	stream.linear.gather [hbm4b:s4+s3], $0x3200, $0x38;
	[tilespmem:$0xB200] =	vst v63  }
0x10: {  	_ =	swait.ge [sflag:s10], $0x3200  }
0x11: {  	[sflag:s10] =	ssyncset.done $0x0  }
0x12: {  	s19 =	simm.s32 $0x0;
	[sflag:s10] =	ssyncadd.s32 $0xFFFFCE00  }
0x13: {  	[tilespmem:s12], [sflag:$0x1] =	stream.indirect.gather [hbm4b:s2+s11], $0x40, s19, s11, $0xb8;
	[tilespmem:$0xB200] =	vst v63  }
0x14: {  	s29 =	simm.s32 $0x80  }
0x15: {  	[tilespmem:s13], [sflag:$0x1] =	stream.indirect.gather [hbm4b:s2+s11], $0x40, s29, s11, $0xb8;
	[tilespmem:$0xB200] =	vst v63  }
0x16: {  	s30 =	simm.s32 $0x100  }
0x17: {  	[tilespmem:s14], [sflag:$0x1] =	stream.indirect.gather [hbm4b:s2+s11], $0x40, s30, s11, $0xb8;
	[tilespmem:$0xB200] =	vst v63  }
0x18: {  	s31 =	simm.s32 $0x180  }
0x19: {  	[tilespmem:s15], [sflag:$0x1] =	stream.indirect.gather [hbm4b:s2+s11], $0x40, s31, s11, $0xb8;
	[tilespmem:$0xB200] =	vst v63  }
0x1a: {  	_ =	swait.ge [sflag:s16], $0x2000  }
0x1b: {  	[sflag:s16] =	ssyncset.done $0x0  }
0x1c: {  	[sflag:s16] =	ssyncadd.s32 $0xFFFFE000  }
0x1d: {  	[hbm4b:s8+s3] =	stream.linear.scatter [tilespmem:s12], [sflag:$0x2], $0x2000, $0x38;
	[tilespmem:$0xB200] =	vst v63  }
0x1e: {  	_ =	swait.ge [sflag:s16], $0x2000  }
0x1f: {  	[sflag:s16] =	ssyncset.done $0x0  }
0x20: {  	[sflag:s16] =	ssyncadd.s32 $0xFFFFE000  }
0x21: {  	[hbm4b:s7+s3] =	stream.linear.scatter [tilespmem:s13], [sflag:$0x2], $0x2000, $0x38;
	[tilespmem:$0xB200] =	vst v63  }
0x22: {  	_ =	swait.ge [sflag:s16], $0x2000  }
0x23: {  	[sflag:s16] =	ssyncset.done $0x0  }
0x24: {  	[sflag:s16] =	ssyncadd.s32 $0xFFFFE000  }
0x25: {  	[hbm4b:s6+s3] =	stream.linear.scatter [tilespmem:s14], [sflag:$0x2], $0x2000, $0x38;
	[tilespmem:$0xB200] =	vst v63  }
0x26: {  	_ =	swait.ge [sflag:s16], $0x2000  }
0x27: {  	[sflag:s16] =	ssyncset.done $0x0  }
0x28: {  	[sflag:s16] =	ssyncadd.s32 $0xFFFFE000  }
0x29: {  	[hbm4b:s9+s3] =	stream.linear.scatter [tilespmem:s15], [sflag:$0x2], $0x2000, $0x38;
	[tilespmem:$0xB200] =	vst v63  }
0x2a: {  	_ =	swait.ge [sflag:s17], $0x2000  }
0x2b: {  	[sflag:s17] =	ssyncset.done $0x0  }
0x2c: {  	[sflag:s17] =	ssyncadd.s32 $0xFFFFE000  }
0x2d: {  	_ =	swait.ge [sflag:s17], $0x2000  }
0x2e: {  	[sflag:s17] =	ssyncset.done $0x0  }
0x2f: {  	[sflag:s17] =	ssyncadd.s32 $0xFFFFE000  }
0x30: {  	_ =	swait.ge [sflag:s17], $0x2000  }
0x31: {  	[sflag:s17] =	ssyncset.done $0x0  }
0x32: {  	s23 =	simm.s32 $0x800;
	s25 =	simm.s32 $0x1000;
	[sflag:s17] =	ssyncadd.s32 $0xFFFFE000  }
0x33: {  	s21 =	sadd.s32 $0x1000, s8;
	s20 =	sadd.s32 $0x1000, s6;
	_ =	swait.ge [sflag:s17], $0x2000  }
0x34: {  	s22 =	sadd.s32 $0x1000, s7;
	s19 =	sadd.s32 $0x1000, s9;
	[sflag:s17] =	ssyncset.done $0x0  }
.LBB2_2:
0x35: {  	s26 =	sshra.s32 s23, $0x2  }
0x36: {  	[sflag:s17] =	ssyncadd.s32 $0xFFFFE000;
	s23 =	smov.u32 s25;
	s24 =	sadd.s32 $0x800, s25  }
0x37: {  	[tilespmem:s12], [sflag:$0x1] =	stream.indirect.gather [hbm4b:s2+s11], $0x40, s26, s11, $0xb8;
	[tilespmem:$0xB200] =	vst v63  }
0x38: {  	p0 =	sne.s32 s25, $0xC000;
	s25 =	sadd.s32 $0x80, s26  }
0x39: {  	[tilespmem:s13], [sflag:$0x1] =	stream.indirect.gather [hbm4b:s2+s11], $0x40, s25, s11, $0xb8;
	[tilespmem:$0xB200] =	vst v63  }
0x3a: {  	s25 =	sadd.s32 $0x100, s26  }
0x3b: {  	[tilespmem:s14], [sflag:$0x1] =	stream.indirect.gather [hbm4b:s2+s11], $0x40, s25, s11, $0xb8;
	[tilespmem:$0xB200] =	vst v63  }
0x3c: {  	s25 =	sadd.s32 $0x180, s26  }
0x3d: {  	[tilespmem:s15], [sflag:$0x1] =	stream.indirect.gather [hbm4b:s2+s11], $0x40, s25, s11, $0xb8;
	[tilespmem:$0xB200] =	vst v63  }
0x3e: {  	_ =	swait.ge [sflag:s16], $0x2000  }
0x3f: {  	[sflag:s16] =	ssyncset.done $0x0  }
0x40: {  	[sflag:s16] =	ssyncadd.s32 $0xFFFFE000  }
0x41: {  	[hbm4b:s21+s3] =	stream.linear.scatter [tilespmem:s12], [sflag:$0x2], $0x2000, $0x38;
	[tilespmem:$0xB200] =	vst v63  }
0x42: {  	_ =	swait.ge [sflag:s16], $0x2000  }
0x43: {  	[sflag:s16] =	ssyncset.done $0x0  }
0x44: {  	[sflag:s16] =	ssyncadd.s32 $0xFFFFE000  }
0x45: {  	[hbm4b:s22+s3] =	stream.linear.scatter [tilespmem:s13], [sflag:$0x2], $0x2000, $0x38;
	[tilespmem:$0xB200] =	vst v63  }
0x46: {  	_ =	swait.ge [sflag:s16], $0x2000  }
0x47: {  	[sflag:s16] =	ssyncset.done $0x0  }
0x48: {  	[sflag:s16] =	ssyncadd.s32 $0xFFFFE000  }
0x49: {  	[hbm4b:s20+s3] =	stream.linear.scatter [tilespmem:s14], [sflag:$0x2], $0x2000, $0x38;
	[tilespmem:$0xB200] =	vst v63  }
0x4a: {  	_ =	swait.ge [sflag:s16], $0x2000  }
0x4b: {  	[sflag:s16] =	ssyncset.done $0x0  }
0x4c: {  	[sflag:s16] =	ssyncadd.s32 $0xFFFFE000  }
0x4d: {  	[hbm4b:s19+s3] =	stream.linear.scatter [tilespmem:s15], [sflag:$0x2], $0x2000, $0x38;
	[tilespmem:$0xB200] =	vst v63  }
0x4e: {  	_ =	swait.ge [sflag:s17], $0x2000  }
0x4f: {  	[sflag:s17] =	ssyncset.done $0x0  }
0x50: {  	[sflag:s17] =	ssyncadd.s32 $0xFFFFE000  }
0x51: {  	_ =	swait.ge [sflag:s17], $0x2000  }
0x52: {  	[sflag:s17] =	ssyncset.done $0x0  }
0x53: {  	[sflag:s17] =	ssyncadd.s32 $0xFFFFE000  }
.Ltmp0:
0x54: {  	_ =	swait.ge [sflag:s17], $0x2000;
	(pc) =	sbr.rel @p0 .LBB2_2-.Ltmp0, $4  }
0x55: {  	[sflag:s17] =	ssyncset.done $0x0  }
0x56: {  	s25 =	smov.u32 s24;
	[sflag:s17] =	ssyncadd.s32 $0xFFFFE000  }
0x57: {  	s21 =	sadd.s32 $0x1000, s21;
	s19 =	sadd.s32 $0x1000, s19;
	_ =	swait.ge [sflag:s17], $0x2000  }
0x58: {  	s22 =	sadd.s32 $0x1000, s22;
	s20 =	sadd.s32 $0x1000, s20;
	[sflag:s17] =	ssyncset.done $0x0  }
0x59: {  	s23 =	sshra.s32 s23, $0x2;
	[sflag:s17] =	ssyncadd.s32 $0xFFFFE000  }
0x5a: {  	[tilespmem:s12], [sflag:$0x1] =	stream.indirect.gather [hbm4b:s2+s11], $0x40, s23, s11, $0xb8;
	[tilespmem:$0xB200] =	vst v63  }
0x5b: {  	s24 =	sadd.s32 $0x80, s23  }
0x5c: {  	[tilespmem:s13], [sflag:$0x1] =	stream.indirect.gather [hbm4b:s2+s11], $0x40, s24, s11, $0xb8;
	[tilespmem:$0xB200] =	vst v63  }
0x5d: {  	s31 =	sadd.s32 $0x100, s23  }
0x5e: {  	[tilespmem:s14], [sflag:$0x1] =	stream.indirect.gather [hbm4b:s2+s11], $0x40, s31, s11, $0xb8;
	[tilespmem:$0xB200] =	vst v63  }
0x5f: {  	s23 =	sadd.s32 $0x180, s23  }
0x60: {  	[tilespmem:s15], [sflag:$0x1] =	stream.indirect.gather [hbm4b:s2+s11], $0x40, s23, s11, $0xb8;
	[tilespmem:$0xB200] =	vst v63  }
0x61: {  	_ =	swait.ge [sflag:s16], $0x2000  }
0x62: {  	[sflag:s16] =	ssyncset.done $0x0  }
0x63: {  	[sflag:s16] =	ssyncadd.s32 $0xFFFFE000  }
0x64: {  	[hbm4b:s21+s3] =	stream.linear.scatter [tilespmem:s12], [sflag:$0x2], $0x2000, $0x38;
	[tilespmem:$0xB200] =	vst v63  }
0x65: {  	_ =	swait.ge [sflag:s16], $0x2000  }
0x66: {  	[sflag:s16] =	ssyncset.done $0x0  }
0x67: {  	[sflag:s16] =	ssyncadd.s32 $0xFFFFE000  }
0x68: {  	[hbm4b:s22+s3] =	stream.linear.scatter [tilespmem:s13], [sflag:$0x2], $0x2000, $0x38;
	[tilespmem:$0xB200] =	vst v63  }
0x69: {  	_ =	swait.ge [sflag:s16], $0x2000  }
0x6a: {  	[sflag:s16] =	ssyncset.done $0x0  }
0x6b: {  	[sflag:s16] =	ssyncadd.s32 $0xFFFFE000  }
0x6c: {  	[hbm4b:s20+s3] =	stream.linear.scatter [tilespmem:s14], [sflag:$0x2], $0x2000, $0x38;
	[tilespmem:$0xB200] =	vst v63  }
0x6d: {  	_ =	swait.ge [sflag:s16], $0x2000  }
0x6e: {  	[sflag:s16] =	ssyncset.done $0x0  }
0x6f: {  	[sflag:s16] =	ssyncadd.s32 $0xFFFFE000  }
0x70: {  	[hbm4b:s19+s3] =	stream.linear.scatter [tilespmem:s15], [sflag:$0x2], $0x2000, $0x38;
	[tilespmem:$0xB200] =	vst v63  }
0x71: {  	_ =	swait.ge [sflag:s17], $0x2000  }
0x72: {  	[sflag:s17] =	ssyncset.done $0x0  }
0x73: {  	[sflag:s17] =	ssyncadd.s32 $0xFFFFE000  }
0x74: {  	_ =	swait.ge [sflag:s17], $0x2000  }
0x75: {  	[sflag:s17] =	ssyncset.done $0x0  }
0x76: {  	s18 =	sadd.s32 $0x1, s18;
	[sflag:s17] =	ssyncadd.s32 $0xFFFFE000  }
0x77: {  	p0 =	sne.s32 s18, s5;
	_ =	swait.ge [sflag:s17], $0x2000  }
.Ltmp1:
0x78: {  	[sflag:s17] =	ssyncset.done $0x0;
	(pc) =	sbr.rel @p0 .LBB2_1-.Ltmp1, $4  }
0x79: {  	[sflag:s17] =	ssyncadd.s32 $0xFFFFE000  }
0x7a: {  	_ =	swait.ge [sflag:s17], $0x2000  }
0x7b: {  	[sflag:s17] =	ssyncset.done $0x0  }
0x7c: {  	[sflag:s17] =	ssyncadd.s32 $0xFFFFE000  }
0x7d: {  	_ =	sfence.sel $0x180000  }
0x7e: {  	[bflag:$0x0] =	sbarrier.arrive $0xFFFF  }
0x7f: {  	p0 =	sne.s32 s0, $0x0;
	_ =	strace $0x90000047  }
0x80: {  	s0 =	sadd.s32 @!p0 $0x100000, s1;
	[bflag:$0x2] =	sbarrier.arrive $0xFFFF  }
0x81: {  	[sflag:s0] =	ssyncadd.tile.s32 @!p0 $0x1;
	_ =	shalt  }
.Lfunc_end2:
_tile_overlayer_lowered:
.L_overlay_start_2:
0x82: {  	(tag) =	ssettag $0x2  }
0x83: {  	s0 =	rddreg [dreg:$0x0];
	s2 =	stileid.u32  }
0x84: {  	s1 =	rddreg [dreg:$0x1];
	p0 =	sne.s32 s2, $0x0  }
0x85: {  	s3 =	rddreg [dreg:$0x2];
	[bflag:$0x3] =	sbarrier.arrive $0xFFFF;
	s2 =	simm.s32 @!p0 $0x1C03  }
0x86: {  	[timem:s3], [sflag:s2] =	dma.local @!p0 [hbm:s0], s1  }
0x87: {  	s0 =	simm.s32 @!p0 $0x3  }
0x88: {  	_ =	swait.ge @!p0 [sflag:s0], s1  }
0x89: {  	s1 =	ssub.s32 @!p0 $0x0, s1;
	[sflag:s0] =	ssyncset.done @!p0 $0x0  }
0x8a: {  	[sflag:s0] =	ssyncadd.s32 @!p0 s1  }
0x8b: {  	[bflag:$0x3] =	sbarrier.arrive $0xFFFF  }
0x8c: {  	_ =	shalt  }

// kernel: kernel.9.cloned.1.call-start
scs
__scs_entry_jumppad:
0x0: {  	(pc) =	sbr.rel $0x88, $3  }
0x1: {  	(tag) =	ssettag $0x0;
	lr =	simm.s32 $0x1  }
0x2: {  	[smem:$0x3F9D] =	sst lr;
	_ =	strace $0xD0000000  }
0x3: {  	_ = 	snop  }
0x4: {  	_ = 	snop  }
0x5: {  	_ = 	snop  }
0x6: {  	_ = 	snop  }
0x7: {  	_ = 	snop  }
__scs_overlays_trampoline_lowered:
0x8: {  	[smem:$0x3FAC] =	sst s0  }
0x9: {  	[smem:$0x3FAD] =	sst s1  }
0xa: {  	[smem:$0x3FAE] =	sst s2  }
0xb: {  	[smem:$0x3FAF] =	sst s3  }
0xc: {  	[smem:$0x3FB0] =	sst s4  }
0xd: {  	[smem:$0x3FB1] =	sst s5  }
0xe: {  	[smem:$0x3FB2] =	sst s6  }
0xf: {  	[smem:$0x3FB3] =	sst s7  }
0x10: {  	[smem:$0x3FB4] =	sst s8  }
0x11: {  	[smem:$0x3FB5] =	sst s9;
	s0 =	simm.s32 @!p0 $0x0  }
0x12: {  	s1 =	sld [smem:$0x3F9B];
	s0 =	simm.s32 @p0 $0x1  }
0x13: {  	[smem:$0x3FB6] =	sst s0;
	s0 =	simm.s32 @!p1 $0x0  }
0x14: {  	s2 =	sld [smem:$0x3F9A];
	s0 =	simm.s32 @p1 $0x1  }
0x15: {  	[smem:$0x3FB7] =	sst s0;
	s0 =	simm.s32 @!p2 $0x0  }
0x16: {  	s3 =	sld [smem:$0x3FDB];
	s0 =	simm.s32 @p2 $0x1  }
0x17: {  	s4 =	simm.s32 $0x1BF5;
	[smem:$0x3FB9] =	sst s0  }
0x18: {  	s0 =	sld [smem:$0x3F9C];
	_ =	swait.ge [sflag:s4], $0x0  }
0x19: {  	s7 =	sld [smem:$0x3F9D]  }
0x1a: {  	s8 =	sadd.s32 $0xFFFFE003, lr  }
0x1b: {  	s9 =	sadd.s32 $0xFFFFFEF7, lr;
	s5 =	simm.s32 $0xFFFFFFFF;
	p2 =	slt.u32 s8, $0xFFFFF086  }
0x1c: {  	p1 =	slt.u32 s9, $0xF7A;
	s5 =	simm.s32 @!p2 $0x0  }
0x1d: {  	s5 =	simm.s32 @p1 $0x1;
	p0 =	seq.s32 s7, s2  }
0x1e: {  	s7 =	smul.u32 @!p0 $0xF7A, s2;
	p2 =	seq.s32 @!p0 s5, $0x0  }
0x1f: {  	s9 =	smul.u32 $0xF7A, s1;
	s8 =	simm.s32 @!p0 $0x1BF5;
	p2 =	por !p2, p0  }
0x20: {  	[sflag:s8] =	ssyncset.s32 @!p0 $0xFFFFF086;
	s6 =	sadd.s32 @!p0 s3, s7;
	s7 =	simm.s32 @!p0 $0x108  }
0x21: {  	s3 =	sadd.s32 s3, s9;
	s6 =	sadd.s32 @!p0 $0x88, s6;
	s7 =	simm.s32 @p2 $0x1082  }
0x22: {  	[simem:s7], [sflag:s8] =	dma.local @!p0 [hbm:s6], $0xF7A  }
0x23: {  	s9 =	sor.u32 $0xD0000000, s2;
	s6 =	simm.s32 $0x108;
	_ =	swait.ge @!p0 [sflag:s8], $0x0  }
0x24: {  	s3 =	sadd.s32 $0x88, s3;
	s6 =	simm.s32 @!p1 $0x1082;
	[sflag:s4] =	ssyncset.s32 $0xFFFFF086  }
0x25: {  	[simem:s6], [sflag:s4] =	dma.local [hbm:s3], $0xF7A  }
0x26: {  	[smem:$0x3F9D] =	sst s1;
	(tag) =	ssettag s2;
	_ =	strace s9  }
0x27: {  	s1 =	sld [smem:$0x3FAD]  }
0x28: {  	s2 =	sld [smem:$0x3FAE]  }
0x29: {  	s4 =	sld [smem:$0x3FB0]  }
0x2a: {  	p0 =	seq.s32 s5, $0x0;
	s5 =	sld [smem:$0x3FB1]  }
0x2b: {  	s6 =	sld [smem:$0x3FB2]  }
0x2c: {  	s7 =	sld [smem:$0x3FB3]  }
0x2d: {  	s3 =	simm.s32 $0x108;
	s8 =	sld [smem:$0x3FB4]  }
0x2e: {  	s3 =	simm.s32 @!p0 $0x1082;
	s9 =	sld [smem:$0x3FB5]  }
0x2f: {  	lr =	sadd.s32 s0, s3;
	s0 =	sld [smem:$0x3FAC]  }
0x30: {  	s3 =	sld [smem:$0x3FAF]  }
0x31: {  	[smem:$0x3FB8] =	sst s10  }
0x32: {  	s10 =	sld [smem:$0x3FB6];
	_ =	sdelay $0x3  }
0x33: {  	p0 =	seq.s32 s10, $0x1;
	s10 =	sld [smem:$0x3FB8];
	_ =	sdelay $0x3  }
0x34: {  	[smem:$0x3FB8] =	sst s10  }
0x35: {  	s10 =	sld [smem:$0x3FB7];
	_ =	sdelay $0x3  }
0x36: {  	p1 =	seq.s32 s10, $0x1;
	s10 =	sld [smem:$0x3FB8];
	_ =	sdelay $0x3  }
0x37: {  	[smem:$0x3FB8] =	sst s10  }
0x38: {  	s10 =	sld [smem:$0x3FB9]  }
0x39: {  	_ = 	snop;
	(pc) =	sbr.ind lr, $3  }
0x3a: {  	_ = 	snop  }
0x3b: {  	_ = 	snop  }
0x3c: {  	p2 =	seq.s32 s10, $0x1;
	s10 =	sld [smem:$0x3FB8]  }
0x3d: {  	_ =	shalt  }
0x3e: {  	_ =	shalt  }
0x3f: {  	_ =	shalt  }
0x40: {  	_ =	shalt  }
0x41: {  	_ =	shalt  }
0x42: {  	_ =	shalt  }
0x43: {  	_ =	shalt  }
0x44: {  	_ =	shalt  }
0x45: {  	_ =	shalt  }
0x46: {  	_ =	shalt  }
0x47: {  	_ =	shalt  }
0x48: {  	_ =	shalt  }
0x49: {  	_ =	shalt  }
0x4a: {  	_ =	shalt  }
0x4b: {  	_ =	shalt  }
0x4c: {  	_ =	shalt  }
0x4d: {  	_ =	shalt  }
0x4e: {  	_ =	shalt  }
0x4f: {  	_ =	shalt  }
0x50: {  	_ =	shalt  }
0x51: {  	_ =	shalt  }
0x52: {  	_ =	shalt  }
0x53: {  	_ =	shalt  }
0x54: {  	_ =	shalt  }
0x55: {  	_ =	shalt  }
0x56: {  	_ =	shalt  }
0x57: {  	_ =	shalt  }
0x58: {  	_ =	shalt  }
0x59: {  	_ =	shalt  }
0x5a: {  	_ =	shalt  }
0x5b: {  	_ =	shalt  }
0x5c: {  	_ =	shalt  }
0x5d: {  	_ =	shalt  }
0x5e: {  	_ =	shalt  }
0x5f: {  	_ =	shalt  }
0x60: {  	_ =	shalt  }
0x61: {  	_ =	shalt  }
0x62: {  	_ =	shalt  }
0x63: {  	_ =	shalt  }
0x64: {  	_ =	shalt  }
0x65: {  	_ =	shalt  }
0x66: {  	_ =	shalt  }
0x67: {  	_ =	shalt  }
0x68: {  	_ =	shalt  }
0x69: {  	_ =	shalt  }
0x6a: {  	_ =	shalt  }
0x6b: {  	_ =	shalt  }
0x6c: {  	_ =	shalt  }
0x6d: {  	_ =	shalt  }
0x6e: {  	_ =	shalt  }
0x6f: {  	_ =	shalt  }
0x70: {  	_ =	shalt  }
0x71: {  	_ =	shalt  }
0x72: {  	_ =	shalt  }
0x73: {  	_ =	shalt  }
0x74: {  	_ =	shalt  }
0x75: {  	_ =	shalt  }
0x76: {  	_ =	shalt  }
0x77: {  	_ =	shalt  }
0x78: {  	_ =	shalt  }
0x79: {  	_ =	shalt  }
0x7a: {  	_ =	shalt  }
0x7b: {  	_ =	shalt  }
0x7c: {  	_ =	shalt  }
0x7d: {  	_ =	shalt  }
0x7e: {  	_ =	shalt  }
0x7f: {  	_ =	shalt  }
0x80: {  	_ =	shalt  }
0x81: {  	_ =	shalt  }
0x82: {  	_ =	shalt  }
0x83: {  	_ =	shalt  }
0x84: {  	_ =	shalt  }
0x85: {  	_ =	shalt  }
0x86: {  	_ =	shalt  }
0x87: {  	_ =	shalt  }
.Lfunc_end0:
.L_simem_size_0:
called_computation.1_lowered:
.L_overlay_start_0:
0x88: {  	s2 =	sld [smem:$0x3FD9]  }
0x89: {  	s3 =	sld [smem:$0x3FFE];
	_ =	sdelay $0x1  }
0x8a: {  	s1 =	srdreg.scid  }
0x8b: {  	s0 =	sand.u32 $0x1, s1  }
0x8c: {  	s17 =	sshll.u32 s0, $0xA;
	s2 =	sadd.s32 s3, s2  }
0x8d: {  	s2 =	sadd.s32 s2, s17  }
0x8e: {  	[smem:$0x3FC4] =	sst s2  }
0x8f: {  	_ = 	snop  }
0x90: {  	s18 =	sld [smem:$0x3FD0];
	(tm) =	ssettm $0x1  }
0x91: {  	s19 =	sld [smem:$0x3FFB];
	_ =	sdelay $0x3  }
0x92: {  	_ =	strace s19  }
0x93: {  	s2 =	sld [smem:$0x3FFC];
	_ =	sdelay $0x3  }
0x94: {  	_ =	strace s2  }
0x95: {  	s2 =	sld [smem:$0x3FFD];
	_ =	sdelay $0x3  }
0x96: {  	_ =	strace s2  }
0x97: {  	_ =	strace $0x8FFFFFFF  }
0x98: {  	s20 =	sld [smem:$0x3FDB];
	_ =	sdelay $0x1  }
0x99: {  	s4 =	simm.s32 $_scs_section_size  }
0x9a: {  	s5 =	simm.s32 $_size__tile_overlayer_lowered;
	s6 =	simm.s32 $_tile_overlayer_lowered  }
0x9b: {  	s7 =	simm.s32 $0x1BFF;
	s21 =	sshll.u32 s6, $0x1;
	s4 =	sadd.s32 s4, s20  }
0x9c: {  	s22 =	simm.s32 $0x0;
	s5 =	sshll.u32 s5, $0x1;
	s6 =	sadd.s32 s21, s4  }
0x9d: {  	[timem:s22], [sflag:s7] =	dma.local [hbm:s6], s5  }
0x9e: {  	_ =	swait.ge [sflag:s7], s5  }
0x9f: {  	s5 =	ssub.s32 $0x0, s5;
	[sflag:s7] =	ssyncset.done $0x0  }
0xa0: {  	[sflag:s7] =	ssyncadd.s32 s5;
	_ =	sdelay $0x1  }
0xa1: {  	s23 =	simm.s32 $0x1B8B  }
0xa2: {  	_ =	swait.ge [sflag:s23], $0x1  }
0xa3: {  	[sflag:s23] =	ssyncset.done $0x0  }
0xa4: {  	[sflag:s23] =	ssyncadd.s32 $0xFFFFFFFF  }
0xa5: {  	s5 =	sld [smem:$0x0]  }
0xa6: {  	s6 =	sand.u32 $0xFFFFFFFE, s1  }
0xa7: {  	p0 =	sne.s32 s1, s6  }
0xa8: {  	s6 =	sshll.u32 @p0 s6, $0xE  }
0xa9: {  	s6 =	sadd.s32 @p0 $0x11B8D, s6;
	s7 =	sshll.u32 @p0 s5, $0x11  }
0xaa: {  	s6 =	sor.u32 @p0 s7, s6  }
0xab: {  	[sflag:s6] =	ssyncadd.remote.s32 @p0 $0x1;
	_ =	sdelay $0x1  }
0xac: {  	s6 =	simm.s32 @p0 $0x1B8D  }
0xad: {  	_ =	swait.eq @p0 [sflag:s6], $0x1  }
0xae: {  	[sflag:s6] =	ssyncadd.s32 @p0 $0xFFFFFFFF  }
0xaf: {  	s7 =	sshll.u32 @!p0 s1, $0xE  }
0xb0: {  	s7 =	sor.u32 @!p0 $0x4000, s7;
	s6 =	simm.s32 @!p0 $0x1B8D  }
0xb1: {  	s5 =	sshll.u32 @!p0 s5, $0x11;
	s7 =	sadd.s32 @!p0 $0x11B8D, s7;
	_ =	swait.eq @!p0 [sflag:s6], $0x1  }
0xb2: {  	s5 =	sor.u32 @!p0 s5, s7;
	[sflag:s6] =	ssyncadd.s32 @!p0 $0xFFFFFFFF  }
0xb3: {  	s25 =	simm.s32 $0x1B8E;
	s24 =	sld [smem:$0x3FFE];
	[sflag:s5] =	ssyncadd.remote.s32 @!p0 $0x1  }
0xb4: {  	s26 =	simm.s32 $execute0_lowered;
	[smem:$0x3FD2] =	sst s25  }
0xb5: {  	s6 =	sshll.u32 s26, $0x1;
	_ =	strace $0x80000049;
	[dreg:$0x1] =	wrdreg $0xFFFFFFFF  }
0xb6: {  	s28 =	simm.s32 $_size_execute0_lowered;
	s4 =	sadd.s32 s4, s6;
	[dreg:$0x0] =	wrdreg $0x0  }
0xb7: {  	s6 =	sshll.u32 s28, $0x1;
	[dreg:$0x2] =	wrdreg s4  }
0xb8: {  	[dreg:$0x3] =	wrdreg s6  }
0xb9: {  	[dreg:$0x4] =	wrdreg $0xC0  }
0xba: {  	_ =	task [dreg:s22], $0x5FFFF  }
0xbb: {  	[dreg:$0x1] =	wrdreg $0xFFFFFFFF  }
0xbc: {  	[dreg:$0x0] =	wrdreg $0x60  }
0xbd: {  	[dreg:$0x2] =	wrdreg s24  }
0xbe: {  	[dreg:$0x3] =	wrdreg s18  }
0xbf: {  	[dreg:$0x4] =	wrdreg $0xA  }
0xc0: {  	_ =	task.clear_ibuf [dreg:s22], $0x5FFFF;
	_ =	strace $0x90000049  }
0xc1: {  	s29 =	simm.s32 $0xA;
	_ =	strace $0x8000004B  }
0xc2: {  	_ =	swait.ge [sflag:s29], $0x1  }
0xc3: {  	[sflag:s29] =	ssyncadd.s32 $0xFFFFFFFF  }
0xc4: {  	_ =	strace $0x9000004B  }
0xc5: {  	_ =	sfence  }
0xc6: {  	s30 =	sld [smem:$0x0];
	_ =	sdelay $0x2  }
0xc7: {  	s31 =	sshll.u32 s1, $0xD;
	s1 =	sshrl.u32 s1, $0x2  }
0xc8: {  	s4 =	sand.u32 $0x4000, s31;
	s1 =	sadd.s32 s1, s30  }
0xc9: {  	s0 =	sor.u32 s4, s0;
	s1 =	sshll.u32 s1, $0x11  }
0xca: {  	s0 =	sor.u32 s1, s0  }
0xcb: {  	s0 =	sadd.s32 $0x8F2B, s0  }
0xcc: {  	[sflag:s0] =	ssyncadd.remote.s32 $0x1  }
0xcd: {  	_ =	sfence.sel $0xFFFF  }
0xce: {  	[dreg:$0x0] =	wrdreg $0xFFFFFFFF;
	(pc) =	sbr.abs _section_cstart, $3  }
0xcf: {  	[dreg:$0x1] =	wrdreg $0xFFFFFFFF  }
0xd0: {  	_ =	task.clear_ibuf [dreg:s22], $0x2FFFF;
	_ =	strace $0x9FFFFFFF  }
0xd1: {  	(tm) =	ssettm $0x7FFFFFFF  }
tec
execute0_lowered:
.L_overlay_start_1:
0x0: {  	(tag) =	ssettag $0x1  }
0x1: {  	s1 =	srdreg.scid;
	s4 =	rddreg [dreg:$0x0]  }
0x2: {  	s0 =	stileid.u32;
	s2 =	rddreg [dreg:$0x1];
	s3 =	simm.s32 $0x0  }
0x3: {  	s13 =	simm.s32 $0x5200;
	s14 =	simm.s32 $0x7200;
	s15 =	simm.s32 $0x9200  }
0x4: {  	s16 =	simm.s32 $0x1;
	s17 =	simm.s32 $0x2;
	s7 =	smul.u32 $0x6400, s0  }
0x5: {  	s18 =	simm.s32 $0x0;
	s5 =	sand.u32 $0x1, s1;
	s30 =	smul.u32 $0x32000, s0  }
0x6: {  	s26 =	sshll.u32 s0, $0x1;
	[smem:$0x7FF] =	sst s3;
	s8 =	smul.u32 $0x3200, s5  }
0x7: {  	s10 =	sadd.s32 $0x339E00, s4;
	s1 =	sor.u32 s5, s26;
	s12 =	smul.u32 $0x19000, s5  }
0x8: {  	s9 =	ssub.s32 $0x2, s5;
	s6 =	smul.u32 $0x3200, s1;
	s1 =	rddreg [dreg:$0x2]  }
0x9: {  	_ =	strace $0x8000004A;
	s28 =	sshrl.u32 s9, $0x1;
	s31 =	sadd.s32 s30, s10  }
0xa: {  	s7 =	sadd.s32 s8, s7;
	s29 =	ssub.s32 s9, s28;
	s8 =	sadd.s32 s12, s31  }
0xb: {  	s12 =	simm.s32 $0x3200;
	s6 =	sshrl.u32 s6, $0x3;
	s7 =	sshll.u32 s7, $0x3  }
0xc: {  	s5 =	smax.u32 s29, $0x1;
	s6 =	sadd.s32 s6, s4;
	s11 =	sadd.s32 s7, s10  }
0xd: {  	s10 =	simm.s32 $0x3;
	s4 =	sadd.s32 $0x32D600, s6;
	s6 =	sadd.s32 $0x800, s11  }
0xe: {  	s7 =	sadd.s32 $0x400, s11;
	s9 =	sadd.s32 $0xC00, s11;
	s11 =	simm.s32 $0x80  }
.LBB2_1:
0xf: {  	[tilespmem:s3], [sflag:$0x3] =	stream.linear.gather [hbm4b:s4+s3], $0x3200, $0x38;
	[tilespmem:$0xB200] =	vst v63  }
0x10: {  	_ =	swait.ge [sflag:s10], $0x3200  }
0x11: {  	[sflag:s10] =	ssyncset.done $0x0  }
0x12: {  	s19 =	simm.s32 $0x0;
	[sflag:s10] =	ssyncadd.s32 $0xFFFFCE00  }
0x13: {  	[tilespmem:s12], [sflag:$0x1] =	stream.indirect.gather [hbm4b:s2+s11], $0x40, s19, s11, $0xb8;
	[tilespmem:$0xB200] =	vst v63  }
0x14: {  	s29 =	simm.s32 $0x80  }
0x15: {  	[tilespmem:s13], [sflag:$0x1] =	stream.indirect.gather [hbm4b:s2+s11], $0x40, s29, s11, $0xb8;
	[tilespmem:$0xB200] =	vst v63  }
0x16: {  	s30 =	simm.s32 $0x100  }
0x17: {  	[tilespmem:s14], [sflag:$0x1] =	stream.indirect.gather [hbm4b:s2+s11], $0x40, s30, s11, $0xb8;
	[tilespmem:$0xB200] =	vst v63  }
0x18: {  	s31 =	simm.s32 $0x180  }
0x19: {  	[tilespmem:s15], [sflag:$0x1] =	stream.indirect.gather [hbm4b:s2+s11], $0x40, s31, s11, $0xb8;
	[tilespmem:$0xB200] =	vst v63  }
0x1a: {  	_ =	swait.ge [sflag:s16], $0x2000  }
0x1b: {  	[sflag:s16] =	ssyncset.done $0x0  }
0x1c: {  	[sflag:s16] =	ssyncadd.s32 $0xFFFFE000  }
0x1d: {  	[hbm4b:s8+s3] =	stream.linear.scatter [tilespmem:s12], [sflag:$0x2], $0x2000, $0x38;
	[tilespmem:$0xB200] =	vst v63  }
0x1e: {  	_ =	swait.ge [sflag:s16], $0x2000  }
0x1f: {  	[sflag:s16] =	ssyncset.done $0x0  }
0x20: {  	[sflag:s16] =	ssyncadd.s32 $0xFFFFE000  }
0x21: {  	[hbm4b:s7+s3] =	stream.linear.scatter [tilespmem:s13], [sflag:$0x2], $0x2000, $0x38;
	[tilespmem:$0xB200] =	vst v63  }
0x22: {  	_ =	swait.ge [sflag:s16], $0x2000  }
0x23: {  	[sflag:s16] =	ssyncset.done $0x0  }
0x24: {  	[sflag:s16] =	ssyncadd.s32 $0xFFFFE000  }
0x25: {  	[hbm4b:s6+s3] =	stream.linear.scatter [tilespmem:s14], [sflag:$0x2], $0x2000, $0x38;
	[tilespmem:$0xB200] =	vst v63  }
0x26: {  	_ =	swait.ge [sflag:s16], $0x2000  }
0x27: {  	[sflag:s16] =	ssyncset.done $0x0  }
0x28: {  	[sflag:s16] =	ssyncadd.s32 $0xFFFFE000  }
0x29: {  	[hbm4b:s9+s3] =	stream.linear.scatter [tilespmem:s15], [sflag:$0x2], $0x2000, $0x38;
	[tilespmem:$0xB200] =	vst v63  }
0x2a: {  	_ =	swait.ge [sflag:s17], $0x2000  }
0x2b: {  	[sflag:s17] =	ssyncset.done $0x0  }
0x2c: {  	[sflag:s17] =	ssyncadd.s32 $0xFFFFE000  }
0x2d: {  	_ =	swait.ge [sflag:s17], $0x2000  }
0x2e: {  	[sflag:s17] =	ssyncset.done $0x0  }
0x2f: {  	[sflag:s17] =	ssyncadd.s32 $0xFFFFE000  }
0x30: {  	_ =	swait.ge [sflag:s17], $0x2000  }
0x31: {  	[sflag:s17] =	ssyncset.done $0x0  }
0x32: {  	s23 =	simm.s32 $0x800;
	s25 =	simm.s32 $0x1000;
	[sflag:s17] =	ssyncadd.s32 $0xFFFFE000  }
0x33: {  	s21 =	sadd.s32 $0x1000, s8;
	s20 =	sadd.s32 $0x1000, s6;
	_ =	swait.ge [sflag:s17], $0x2000  }
0x34: {  	s22 =	sadd.s32 $0x1000, s7;
	s19 =	sadd.s32 $0x1000, s9;
	[sflag:s17] =	ssyncset.done $0x0  }
.LBB2_2:
0x35: {  	s26 =	sshra.s32 s23, $0x2  }
0x36: {  	[sflag:s17] =	ssyncadd.s32 $0xFFFFE000;
	s23 =	smov.u32 s25;
	s24 =	sadd.s32 $0x800, s25  }
0x37: {  	[tilespmem:s12], [sflag:$0x1] =	stream.indirect.gather [hbm4b:s2+s11], $0x40, s26, s11, $0xb8;
	[tilespmem:$0xB200] =	vst v63  }
0x38: {  	p0 =	sne.s32 s25, $0xC000;
	s25 =	sadd.s32 $0x80, s26  }
0x39: {  	[tilespmem:s13], [sflag:$0x1] =	stream.indirect.gather [hbm4b:s2+s11], $0x40, s25, s11, $0xb8;
	[tilespmem:$0xB200] =	vst v63  }
0x3a: {  	s25 =	sadd.s32 $0x100, s26  }
0x3b: {  	[tilespmem:s14], [sflag:$0x1] =	stream.indirect.gather [hbm4b:s2+s11], $0x40, s25, s11, $0xb8;
	[tilespmem:$0xB200] =	vst v63  }
0x3c: {  	s25 =	sadd.s32 $0x180, s26  }
0x3d: {  	[tilespmem:s15], [sflag:$0x1] =	stream.indirect.gather [hbm4b:s2+s11], $0x40, s25, s11, $0xb8;
	[tilespmem:$0xB200] =	vst v63  }
0x3e: {  	_ =	swait.ge [sflag:s16], $0x2000  }
0x3f: {  	[sflag:s16] =	ssyncset.done $0x0  }
0x40: {  	[sflag:s16] =	ssyncadd.s32 $0xFFFFE000  }
0x41: {  	[hbm4b:s21+s3] =	stream.linear.scatter [tilespmem:s12], [sflag:$0x2], $0x2000, $0x38;
	[tilespmem:$0xB200] =	vst v63  }
0x42: {  	_ =	swait.ge [sflag:s16], $0x2000  }
0x43: {  	[sflag:s16] =	ssyncset.done $0x0  }
0x44: {  	[sflag:s16] =	ssyncadd.s32 $0xFFFFE000  }
0x45: {  	[hbm4b:s22+s3] =	stream.linear.scatter [tilespmem:s13], [sflag:$0x2], $0x2000, $0x38;
	[tilespmem:$0xB200] =	vst v63  }
0x46: {  	_ =	swait.ge [sflag:s16], $0x2000  }
0x47: {  	[sflag:s16] =	ssyncset.done $0x0  }
0x48: {  	[sflag:s16] =	ssyncadd.s32 $0xFFFFE000  }
0x49: {  	[hbm4b:s20+s3] =	stream.linear.scatter [tilespmem:s14], [sflag:$0x2], $0x2000, $0x38;
	[tilespmem:$0xB200] =	vst v63  }
0x4a: {  	_ =	swait.ge [sflag:s16], $0x2000  }
0x4b: {  	[sflag:s16] =	ssyncset.done $0x0  }
0x4c: {  	[sflag:s16] =	ssyncadd.s32 $0xFFFFE000  }
0x4d: {  	[hbm4b:s19+s3] =	stream.linear.scatter [tilespmem:s15], [sflag:$0x2], $0x2000, $0x38;
	[tilespmem:$0xB200] =	vst v63  }
0x4e: {  	_ =	swait.ge [sflag:s17], $0x2000  }
0x4f: {  	[sflag:s17] =	ssyncset.done $0x0  }
0x50: {  	[sflag:s17] =	ssyncadd.s32 $0xFFFFE000  }
0x51: {  	_ =	swait.ge [sflag:s17], $0x2000  }
0x52: {  	[sflag:s17] =	ssyncset.done $0x0  }
0x53: {  	[sflag:s17] =	ssyncadd.s32 $0xFFFFE000  }
.Ltmp0:
0x54: {  	_ =	swait.ge [sflag:s17], $0x2000;
	(pc) =	sbr.rel @p0 .LBB2_2-.Ltmp0, $4  }
0x55: {  	[sflag:s17] =	ssyncset.done $0x0  }
0x56: {  	s25 =	smov.u32 s24;
	[sflag:s17] =	ssyncadd.s32 $0xFFFFE000  }
0x57: {  	s21 =	sadd.s32 $0x1000, s21;
	s19 =	sadd.s32 $0x1000, s19;
	_ =	swait.ge [sflag:s17], $0x2000  }
0x58: {  	s22 =	sadd.s32 $0x1000, s22;
	s20 =	sadd.s32 $0x1000, s20;
	[sflag:s17] =	ssyncset.done $0x0  }
0x59: {  	s23 =	sshra.s32 s23, $0x2;
	[sflag:s17] =	ssyncadd.s32 $0xFFFFE000  }
0x5a: {  	[tilespmem:s12], [sflag:$0x1] =	stream.indirect.gather [hbm4b:s2+s11], $0x40, s23, s11, $0xb8;
	[tilespmem:$0xB200] =	vst v63  }
0x5b: {  	s24 =	sadd.s32 $0x80, s23  }
0x5c: {  	[tilespmem:s13], [sflag:$0x1] =	stream.indirect.gather [hbm4b:s2+s11], $0x40, s24, s11, $0xb8;
	[tilespmem:$0xB200] =	vst v63  }
0x5d: {  	s31 =	sadd.s32 $0x100, s23  }
0x5e: {  	[tilespmem:s14], [sflag:$0x1] =	stream.indirect.gather [hbm4b:s2+s11], $0x40, s31, s11, $0xb8;
	[tilespmem:$0xB200] =	vst v63  }
0x5f: {  	s23 =	sadd.s32 $0x180, s23  }
0x60: {  	[tilespmem:s15], [sflag:$0x1] =	stream.indirect.gather [hbm4b:s2+s11], $0x40, s23, s11, $0xb8;
	[tilespmem:$0xB200] =	vst v63  }
0x61: {  	_ =	swait.ge [sflag:s16], $0x2000  }
0x62: {  	[sflag:s16] =	ssyncset.done $0x0  }
0x63: {  	[sflag:s16] =	ssyncadd.s32 $0xFFFFE000  }
0x64: {  	[hbm4b:s21+s3] =	stream.linear.scatter [tilespmem:s12], [sflag:$0x2], $0x2000, $0x38;
	[tilespmem:$0xB200] =	vst v63  }
0x65: {  	_ =	swait.ge [sflag:s16], $0x2000  }
0x66: {  	[sflag:s16] =	ssyncset.done $0x0  }
0x67: {  	[sflag:s16] =	ssyncadd.s32 $0xFFFFE000  }
0x68: {  	[hbm4b:s22+s3] =	stream.linear.scatter [tilespmem:s13], [sflag:$0x2], $0x2000, $0x38;
	[tilespmem:$0xB200] =	vst v63  }
0x69: {  	_ =	swait.ge [sflag:s16], $0x2000  }
0x6a: {  	[sflag:s16] =	ssyncset.done $0x0  }
0x6b: {  	[sflag:s16] =	ssyncadd.s32 $0xFFFFE000  }
0x6c: {  	[hbm4b:s20+s3] =	stream.linear.scatter [tilespmem:s14], [sflag:$0x2], $0x2000, $0x38;
	[tilespmem:$0xB200] =	vst v63  }
0x6d: {  	_ =	swait.ge [sflag:s16], $0x2000  }
0x6e: {  	[sflag:s16] =	ssyncset.done $0x0  }
0x6f: {  	[sflag:s16] =	ssyncadd.s32 $0xFFFFE000  }
0x70: {  	[hbm4b:s19+s3] =	stream.linear.scatter [tilespmem:s15], [sflag:$0x2], $0x2000, $0x38;
	[tilespmem:$0xB200] =	vst v63  }
0x71: {  	_ =	swait.ge [sflag:s17], $0x2000  }
0x72: {  	[sflag:s17] =	ssyncset.done $0x0  }
0x73: {  	[sflag:s17] =	ssyncadd.s32 $0xFFFFE000  }
0x74: {  	_ =	swait.ge [sflag:s17], $0x2000  }
0x75: {  	[sflag:s17] =	ssyncset.done $0x0  }
0x76: {  	s18 =	sadd.s32 $0x1, s18;
	[sflag:s17] =	ssyncadd.s32 $0xFFFFE000  }
0x77: {  	p0 =	sne.s32 s18, s5;
	_ =	swait.ge [sflag:s17], $0x2000  }
.Ltmp1:
0x78: {  	[sflag:s17] =	ssyncset.done $0x0;
	(pc) =	sbr.rel @p0 .LBB2_1-.Ltmp1, $4  }
0x79: {  	[sflag:s17] =	ssyncadd.s32 $0xFFFFE000  }
0x7a: {  	_ =	swait.ge [sflag:s17], $0x2000  }
0x7b: {  	[sflag:s17] =	ssyncset.done $0x0  }
0x7c: {  	[sflag:s17] =	ssyncadd.s32 $0xFFFFE000  }
0x7d: {  	_ =	sfence.sel $0x180000  }
0x7e: {  	[bflag:$0x0] =	sbarrier.arrive $0xFFFF  }
0x7f: {  	p0 =	sne.s32 s0, $0x0;
	_ =	strace $0x9000004A  }
0x80: {  	s0 =	sadd.s32 @!p0 $0x100000, s1;
	[bflag:$0x2] =	sbarrier.arrive $0xFFFF  }
0x81: {  	[sflag:s0] =	ssyncadd.tile.s32 @!p0 $0x1;
	_ =	shalt  }
.Lfunc_end2:
_tile_overlayer_lowered:
.L_overlay_start_2:
0x82: {  	(tag) =	ssettag $0x2  }
0x83: {  	s0 =	rddreg [dreg:$0x0];
	s2 =	stileid.u32  }
0x84: {  	s1 =	rddreg [dreg:$0x1];
	p0 =	sne.s32 s2, $0x0  }
0x85: {  	s3 =	rddreg [dreg:$0x2];
	[bflag:$0x3] =	sbarrier.arrive $0xFFFF;
	s2 =	simm.s32 @!p0 $0x1C03  }
0x86: {  	[timem:s3], [sflag:s2] =	dma.local @!p0 [hbm:s0], s1  }
0x87: {  	s0 =	simm.s32 @!p0 $0x3  }
0x88: {  	_ =	swait.ge @!p0 [sflag:s0], s1  }
0x89: {  	s1 =	ssub.s32 @!p0 $0x0, s1;
	[sflag:s0] =	ssyncset.done @!p0 $0x0  }
0x8a: {  	[sflag:s0] =	ssyncadd.s32 @!p0 s1  }
0x8b: {  	[bflag:$0x3] =	sbarrier.arrive $0xFFFF  }
0x8c: {  	_ =	shalt  }

</sc_bundles>
